<compile_context>
chip_gen: v7x
topology: tpu7x:2x2x1
jax: 0.10.2.dev20260603
libtpu: 0.0.44.dev20260713+nightly
codegen_flags: <defaults>
</compile_context>

<pallas_src>
import jax
import jax.numpy as jnp
from jax.experimental import pallas as pl
from jax.experimental.pallas import tpu as pltpu
from jax.experimental.pallas import tpu_sc as plsc


def kernel(patches, pos_table):
    B, N, D = patches.shape
    RB = 16
    W = 32
    HPW = N // (RB * W)

    mesh = plsc.VectorSubcoreMesh(core_axis_name="c", subcore_axis_name="s")

    @pl.kernel(out_type=jax.ShapeDtypeStruct((B, N, D), patches.dtype),
               mesh=mesh)
    def sc_kernel(p_hbm, t_hbm, o_hbm):
        def body(p_vmem, t_vmem, o_vmem):
            @pl.loop(0, RB)
            def _(r):
                @pl.loop(0, D, step=16)
                def _(i):
                    o_vmem.at[0, r, pl.ds(i, 16)][...] = (
                        p_vmem.at[0, r, pl.ds(i, 16)][...]
                        + t_vmem.at[r, pl.ds(i, 16)][...]
                    )

        pltpu.emit_pipeline(
            body,
            grid=(W, HPW, B),
            in_specs=[
                pl.BlockSpec((1, RB, D),
                             index_map=lambda c, h, b: (b, c * HPW + h, 0)),
                pl.BlockSpec((RB, D),
                             index_map=lambda c, h, b: (c * HPW + h, 0)),
            ],
            out_specs=[
                pl.BlockSpec((1, RB, D),
                             index_map=lambda c, h, b: (b, c * HPW + h, 0)),
            ],
            core_axis_name=("c", "s"),
            dimension_semantics=(pltpu.PARALLEL, pltpu.ARBITRARY,
                                 pltpu.ARBITRARY),
        )(p_hbm, t_hbm, o_hbm)

    return sc_kernel(patches, pos_table)

# --- scband reference (transcript-rebuilt; emitter-appended) ---
"""Pipeline reference for scband-positional-embedding-60851096650004 (READ-ONLY COPY).

The authoritative reference and input builder live on the scoring server;
editing this copy changes nothing except your own understanding.
"""

import jax, jax.numpy as jnp
import numpy as np

N_PATCHES = 1024
MODEL_DIM = 768
BATCH = 64

def setup_inputs(seed: int = 0) -> dict:
    key = jax.random.key(seed)
    k1, k2 = jax.random.split(key)
    patches = jax.random.normal(k1, (BATCH, N_PATCHES, MODEL_DIM), dtype=jnp.float32)
    pos_table = jax.random.normal(k2, (N_PATCHES, MODEL_DIM), dtype=jnp.float32) * 0.02
    return {"patches": patches, "pos_table": pos_table}

def reference(patches, pos_table):
    positions = jnp.arange(0, N_PATCHES, 1)
    pos_emb = jnp.take(pos_table, positions, axis=0)  # embedding lookup [n_patches, model_dim]
    return patches + pos_emb  # broadcast over batch

if __name__ == "__main__":
    import jax
    _d = setup_inputs()
    print(jax.jit(kernel)(*tuple(_d.values())))

</pallas_src>

<mosaic_0001>
#map = affine_map<(d0, d1) -> (0, 0, 0)>
#map1 = affine_map<(d0, d1) -> (0, 0)>
module attributes {stable_mosaic.version = 14 : i64} {
  func.func @sc_kernel(%arg0: i32, %arg1: i32, %arg2: memref<64x1024x768xf32, #tpu.memory_space<hbm>>, %arg3: memref<1024x768xf32, #tpu.memory_space<hbm>>, %arg4: memref<64x1024x768xf32, #tpu.memory_space<hbm>>) attributes {dimension_semantics = [#tpu.dimension_semantics<core_parallel>, #tpu.dimension_semantics<subcore_parallel>], iteration_bounds = array<i64: 2, 16>, scalar_prefetch = 0 : i64, scratch_operands = 0 : i64, tpu.core_type = #tpu.core_type<sc_vector_subcore>, window_params = [{transform_indices = #map}, {transform_indices = #map1}, {transform_indices = #map}]} {
    %mul3A = arith.constant 1 : i32
    %mul3A_0 = arith.muli %arg1, %mul3A : i32
    %add3A = arith.constant 0 : i32
    %add3A_1 = arith.addi %add3A, %mul3A_0 : i32
    %mul3A_2 = arith.constant 16 : i32
    %mul3A_3 = arith.muli %arg0, %mul3A_2 : i32
    %add3A_4 = arith.addi %add3A_1, %mul3A_3 : i32
    %mul3A_5 = arith.constant 1 : i32
    %mul3A_6 = arith.muli %add3A_4, %mul3A_5 : i32
    "tpu.region"() ({
      %run_scoped3A = memref.alloca() : memref<2x1x16x768xf32, #tpu.memory_space<vmem>>
      %run_scoped3A_7 = tpu.sem_alloc : memref<2x!tpu.dma_semaphore, #tpu.memory_space<semaphore_mem>>
      %run_scoped3A_8 = memref.alloca() : memref<2x16x768xf32, #tpu.memory_space<vmem>>
      %run_scoped3A_9 = tpu.sem_alloc : memref<2x!tpu.dma_semaphore, #tpu.memory_space<semaphore_mem>>
      %run_scoped3A_10 = memref.alloca() : memref<2x1x16x768xf32, #tpu.memory_space<vmem>>
      %run_scoped3A_11 = tpu.sem_alloc : memref<2x!tpu.dma_semaphore, #tpu.memory_space<semaphore_mem>>
      %add3A_12 = arith.constant 0 : i32
      %add3A_13 = arith.addi %add3A_12, %mul3A_6 : i32
      %select_n3A = arith.constant true
      %select_n3A_14 = arith.constant 0 : i32
      %select_n3A_15 = arith.constant -1 : i32
      %select_n3A_16 = arith.select %select_n3A, %select_n3A_15, %select_n3A_14 : i32
      %eq3A = arith.constant -1 : i32
      %eq3A_17 = arith.cmpi eq, %select_n3A_16, %eq3A : i32
      %select_n3A_18 = arith.constant 63 : i32
      %select_n3A_19 = arith.select %eq3A_17, %select_n3A_18, %select_n3A_16 : i32
      %select_n3A_20 = arith.constant 0 : i32
      %select_n3A_21 = arith.constant -1 : i32
      %select_n3A_22 = arith.select %eq3A_17, %select_n3A_21, %select_n3A_20 : i32
      %eq3A_23 = arith.constant -1 : i32
      %eq3A_24 = arith.cmpi eq, %select_n3A_22, %eq3A_23 : i32
      %select_n3A_25 = arith.constant 1 : i32
      %select_n3A_26 = arith.select %eq3A_24, %select_n3A_25, %select_n3A_22 : i32
      %select_n3A_27 = arith.constant 0 : i32
      %select_n3A_28 = arith.constant -1 : i32
      %select_n3A_29 = arith.select %eq3A_24, %select_n3A_28, %select_n3A_27 : i32
      %eq3A_30 = arith.constant -1 : i32
      %eq3A_31 = arith.cmpi eq, %select_n3A_29, %eq3A_30 : i32
      %select_n3A_32 = arith.constant 0 : i32
      %select_n3A_33 = arith.select %eq3A_31, %select_n3A_32, %select_n3A_29 : i32
      %add3A_34 = arith.constant 0 : i32
      %add3A_35 = arith.addi %add3A_34, %mul3A_6 : i32
      %add3A_36 = arith.constant 0 : i32
      %add3A_37 = arith.addi %select_n3A_26, %add3A_36 : i32
      %add3A_38 = arith.constant 0 : i32
      %add3A_39 = arith.addi %select_n3A_19, %add3A_38 : i32
      %select_n3A_40 = arith.constant true
      %select_n3A_41 = arith.constant 0 : i32
      %select_n3A_42 = arith.constant 1 : i32
      %select_n3A_43 = arith.select %select_n3A_40, %select_n3A_42, %select_n3A_41 : i32
      %eq3A_44 = arith.constant 64 : i32
      %eq3A_45 = arith.cmpi eq, %select_n3A_43, %eq3A_44 : i32
      %select_n3A_46 = arith.constant 0 : i32
      %select_n3A_47 = arith.select %eq3A_45, %select_n3A_46, %select_n3A_43 : i32
      %select_n3A_48 = arith.constant 0 : i32
      %select_n3A_49 = arith.constant 1 : i32
      %select_n3A_50 = arith.select %eq3A_45, %select_n3A_49, %select_n3A_48 : i32
      %eq3A_51 = arith.constant 2 : i32
      %eq3A_52 = arith.cmpi eq, %select_n3A_50, %eq3A_51 : i32
      %select_n3A_53 = arith.constant 0 : i32
      %select_n3A_54 = arith.select %eq3A_52, %select_n3A_53, %select_n3A_50 : i32
      %select_n3A_55 = arith.constant 0 : i32
      %select_n3A_56 = arith.constant 1 : i32
      %select_n3A_57 = arith.select %eq3A_52, %select_n3A_56, %select_n3A_55 : i32
      %eq3A_58 = arith.constant 1 : i32
      %eq3A_59 = arith.cmpi eq, %select_n3A_57, %eq3A_58 : i32
      %select_n3A_60 = arith.constant 0 : i32
      %select_n3A_61 = arith.select %eq3A_59, %select_n3A_60, %select_n3A_57 : i32
      %add3A_62 = arith.constant 0 : i32
      %add3A_63 = arith.addi %add3A_62, %mul3A_6 : i32
      %add3A_64 = arith.constant 0 : i32
      %add3A_65 = arith.addi %select_n3A_54, %add3A_64 : i32
      %add3A_66 = arith.constant 0 : i32
      %add3A_67 = arith.addi %select_n3A_47, %add3A_66 : i32
      %add3A_68 = arith.constant 1 : i32
      %add3A_69 = arith.addi %select_n3A_47, %add3A_68 : i32
      %select_n3A_70 = arith.constant true
      %select_n3A_71 = arith.select %select_n3A_70, %add3A_69, %select_n3A_47 : i32
      %eq3A_72 = arith.constant 64 : i32
      %eq3A_73 = arith.cmpi eq, %select_n3A_71, %eq3A_72 : i32
      %select_n3A_74 = arith.constant 0 : i32
      %select_n3A_75 = arith.select %eq3A_73, %select_n3A_74, %select_n3A_71 : i32
      %add3A_76 = arith.constant 1 : i32
      %add3A_77 = arith.addi %select_n3A_54, %add3A_76 : i32
      %select_n3A_78 = arith.select %eq3A_73, %add3A_77, %select_n3A_54 : i32
      %eq3A_79 = arith.constant 2 : i32
      %eq3A_80 = arith.cmpi eq, %select_n3A_78, %eq3A_79 : i32
      %select_n3A_81 = arith.constant 0 : i32
      %select_n3A_82 = arith.select %eq3A_80, %select_n3A_81, %select_n3A_78 : i32
      %select_n3A_83 = arith.constant 0 : i32
      %select_n3A_84 = arith.constant 1 : i32
      %select_n3A_85 = arith.select %eq3A_80, %select_n3A_84, %select_n3A_83 : i32
      %eq3A_86 = arith.constant 1 : i32
      %eq3A_87 = arith.cmpi eq, %select_n3A_85, %eq3A_86 : i32
      %select_n3A_88 = arith.constant 0 : i32
      %select_n3A_89 = arith.select %eq3A_87, %select_n3A_88, %select_n3A_85 : i32
      %add3A_90 = arith.constant 0 : i32
      %add3A_91 = arith.addi %add3A_90, %mul3A_6 : i32
      %add3A_92 = arith.constant 0 : i32
      %add3A_93 = arith.addi %select_n3A_82, %add3A_92 : i32
      %add3A_94 = arith.constant 0 : i32
      %add3A_95 = arith.addi %select_n3A_75, %add3A_94 : i32
      "tpu.trace_start"() <{level = 10 : i32, message = "ep_initialize_0"}> : () -> ()
      %rem3A = arith.constant 0 : i32
      %rem3A_96 = arith.constant 2 : i32
      %rem3A_97 = arith.remui %rem3A, %rem3A_96 : i32
      %mul3A_98 = arith.constant 2 : i32
      %mul3A_99 = arith.muli %add3A_13, %mul3A_98 : i32
      %add3A_100 = arith.constant 0 : i32
      %add3A_101 = arith.addi %mul3A_99, %add3A_100 : i32
      %mul3A_102 = arith.constant 16 : i32
      %mul3A_103 = arith.muli %mul3A_102, %add3A_101 : i32
      %dma_start3A = arith.constant 0 : i32
      %dma_start3A_104 = arith.constant 0 : i32
      %dma_start3A_105 = arith.constant 0 : i32
      %dma_start3A_106 = tpu.memref_slice %run_scoped3A[%rem3A_97, %dma_start3A, %dma_start3A_104, %dma_start3A_105] : memref<2x1x16x768xf32, #tpu.memory_space<vmem>> -> memref<1x1x16x768xf32, #tpu.memory_space<vmem>>
      %dma_start3A_107 = tpu.memref_squeeze %dma_start3A_106 : memref<1x1x16x768xf32, #tpu.memory_space<vmem>> -> memref<1x16x768xf32, #tpu.memory_space<vmem>>
      %dma_start3A_108 = arith.constant 0 : i32
      %dma_start3A_109 = arith.constant 0 : i32
      %dma_start3A_110 = tpu.memref_slice %arg2[%dma_start3A_108, %mul3A_103, %dma_start3A_109] : memref<64x1024x768xf32, #tpu.memory_space<hbm>> -> memref<1x16x768xf32, #tpu.memory_space<hbm>>
      %dma_start3A_111 = tpu.memref_slice %run_scoped3A_7[%rem3A_97] : memref<2x!tpu.dma_semaphore, #tpu.memory_space<semaphore_mem>> -> memref<1x!tpu.dma_semaphore, #tpu.memory_space<semaphore_mem>>
      %dma_start3A_112 = tpu.memref_squeeze %dma_start3A_111 : memref<1x!tpu.dma_semaphore, #tpu.memory_space<semaphore_mem>> -> memref<!tpu.dma_semaphore, #tpu.memory_space<semaphore_mem>>
      %dma_start3A_113 = arith.constant 0 : i32
      %dma_start3A_114 = arith.constant 0 : i32
      %dma_start3A_115 = arith.constant 0 : i32
      %dma_start3A_116 = tpu.memref_slice %run_scoped3A[%rem3A_97, %dma_start3A_113, %dma_start3A_114, %dma_start3A_115] : memref<2x1x16x768xf32, #tpu.memory_space<vmem>> -> memref<1x1x16x768xf32, #tpu.memory_space<vmem>>
      %dma_start3A_117 = tpu.memref_squeeze %dma_start3A_116 : memref<1x1x16x768xf32, #tpu.memory_space<vmem>> -> memref<1x16x768xf32, #tpu.memory_space<vmem>>
      %dma_start3A_118 = arith.constant 0 : i32
      %dma_start3A_119 = arith.constant 0 : i32
      %dma_start3A_120 = tpu.memref_slice %arg2[%dma_start3A_118, %mul3A_103, %dma_start3A_119] : memref<64x1024x768xf32, #tpu.memory_space<hbm>> -> memref<1x16x768xf32, #tpu.memory_space<hbm>>
      tpu.enqueue_dma source(%dma_start3A_120 : memref<1x16x768xf32, #tpu.memory_space<hbm>>) target(%dma_start3A_117 : memref<1x16x768xf32, #tpu.memory_space<vmem>>) target_semaphore(%dma_start3A_112 : memref<!tpu.dma_semaphore, #tpu.memory_space<semaphore_mem>>)
      %add3A_121 = arith.constant 0 : i32
      %add3A_122 = arith.constant 1 : i32
      %add3A_123 = arith.addi %add3A_121, %add3A_122 : i32
      %select_n3A_124 = arith.constant true
      %select_n3A_125 = arith.constant 0 : i32
      %select_n3A_126 = arith.select %select_n3A_124, %add3A_123, %select_n3A_125 : i32
      %rem3A_127 = arith.constant 0 : i32
      %rem3A_128 = arith.constant 2 : i32
      %rem3A_129 = arith.remui %rem3A_127, %rem3A_128 : i32
      %mul3A_130 = arith.constant 2 : i32
      %mul3A_131 = arith.muli %add3A_13, %mul3A_130 : i32
      %add3A_132 = arith.constant 0 : i32
      %add3A_133 = arith.addi %mul3A_131, %add3A_132 : i32
      %mul3A_134 = arith.constant 16 : i32
      %mul3A_135 = arith.muli %mul3A_134, %add3A_133 : i32
      %dma_start3A_136 = arith.constant 0 : i32
      %dma_start3A_137 = arith.constant 0 : i32
      %dma_start3A_138 = tpu.memref_slice %run_scoped3A_8[%rem3A_129, %dma_start3A_136, %dma_start3A_137] : memref<2x16x768xf32, #tpu.memory_space<vmem>> -> memref<1x16x768xf32, #tpu.memory_space<vmem>>
      %dma_start3A_139 = tpu.memref_squeeze %dma_start3A_138 : memref<1x16x768xf32, #tpu.memory_space<vmem>> -> memref<16x768xf32, #tpu.memory_space<vmem>>
      %dma_start3A_140 = arith.constant 0 : i32
      %dma_start3A_141 = tpu.memref_slice %arg3[%mul3A_135, %dma_start3A_140] : memref<1024x768xf32, #tpu.memory_space<hbm>> -> memref<16x768xf32, #tpu.memory_space<hbm>>
      %dma_start3A_142 = tpu.memref_slice %run_scoped3A_9[%rem3A_129] : memref<2x!tpu.dma_semaphore, #tpu.memory_space<semaphore_mem>> -> memref<1x!tpu.dma_semaphore, #tpu.memory_space<semaphore_mem>>
      %dma_start3A_143 = tpu.memref_squeeze %dma_start3A_142 : memref<1x!tpu.dma_semaphore, #tpu.memory_space<semaphore_mem>> -> memref<!tpu.dma_semaphore, #tpu.memory_space<semaphore_mem>>
      %dma_start3A_144 = arith.constant 0 : i32
      %dma_start3A_145 = arith.constant 0 : i32
      %dma_start3A_146 = tpu.memref_slice %run_scoped3A_8[%rem3A_129, %dma_start3A_144, %dma_start3A_145] : memref<2x16x768xf32, #tpu.memory_space<vmem>> -> memref<1x16x768xf32, #tpu.memory_space<vmem>>
      %dma_start3A_147 = tpu.memref_squeeze %dma_start3A_146 : memref<1x16x768xf32, #tpu.memory_space<vmem>> -> memref<16x768xf32, #tpu.memory_space<vmem>>
      %dma_start3A_148 = arith.constant 0 : i32
      %dma_start3A_149 = tpu.memref_slice %arg3[%mul3A_135, %dma_start3A_148] : memref<1024x768xf32, #tpu.memory_space<hbm>> -> memref<16x768xf32, #tpu.memory_space<hbm>>
      tpu.enqueue_dma source(%dma_start3A_149 : memref<16x768xf32, #tpu.memory_space<hbm>>) target(%dma_start3A_147 : memref<16x768xf32, #tpu.memory_space<vmem>>) target_semaphore(%dma_start3A_143 : memref<!tpu.dma_semaphore, #tpu.memory_space<semaphore_mem>>)
      %add3A_150 = arith.constant 0 : i32
      %add3A_151 = arith.constant 1 : i32
      %add3A_152 = arith.addi %add3A_150, %add3A_151 : i32
      %select_n3A_153 = arith.constant true
      %select_n3A_154 = arith.constant 0 : i32
      %select_n3A_155 = arith.select %select_n3A_153, %add3A_152, %select_n3A_154 : i32
      "tpu.trace_stop"() : () -> ()
      %scan3A = arith.constant 0 : i32
      %scan3A_156 = arith.constant 0 : i32
      %scan3A_157 = arith.constant 0 : i32
      %scan3A_158 = arith.constant 0 : i32
      %scan3A_159 = arith.constant 0 : i32
      %scan3A_160 = arith.constant 0 : i32
      %scan3A_161 = arith.constant 0 : i32
      %scan3A_162 = arith.constant 0 : i32
      %scan3A_163 = arith.constant 128 : i32
      %scan3A_164 = arith.addi %scan3A_162, %scan3A_163 : i32
      %scan3A_165 = arith.constant 1 : i32
      %scan3A_166:9 = scf.for %scan3A_303 = %scan3A_162 to %scan3A_164 step %scan3A_165 iter_args(%scan3A_304 = %select_n3A_126, %scan3A_305 = %scan3A, %scan3A_306 = %select_n3A_155, %scan3A_307 = %scan3A_156, %scan3A_308 = %scan3A_157, %scan3A_309 = %scan3A_158, %scan3A_310 = %scan3A_159, %scan3A_311 = %scan3A_160, %scan3A_312 = %scan3A_161) -> (i32, i32, i32, i32, i32, i32, i32, i32, i32)  : i32 {
        %eq3A_313 = arith.constant 0 : i32
        %eq3A_314 = arith.cmpi eq, %scan3A_303, %eq3A_313 : i32
        %eq3A_315 = arith.constant 127 : i32
        %eq3A_316 = arith.cmpi eq, %scan3A_303, %eq3A_315 : i32
        %add3A_317 = arith.constant 0 : i32
        %add3A_318 = arith.addi %add3A_317, %mul3A_6 : i32
        %add3A_319 = arith.constant 0 : i32
        %add3A_320 = arith.addi %scan3A_311, %add3A_319 : i32
        %add3A_321 = arith.constant 0 : i32
        %add3A_322 = arith.addi %scan3A_312, %add3A_321 : i32
        %sub3A_323 = arith.constant 1 : i32
        %sub3A_324 = arith.subi %scan3A_312, %sub3A_323 : i32
        %select_n3A_325 = arith.constant true
        %select_n3A_326 = arith.select %select_n3A_325, %sub3A_324, %scan3A_312 : i32
        %eq3A_327 = arith.constant -1 : i32
        %eq3A_328 = arith.cmpi eq, %select_n3A_326, %eq3A_327 : i32
        %select_n3A_329 = arith.constant 63 : i32
        %select_n3A_330 = arith.select %eq3A_328, %select_n3A_329, %select_n3A_326 : i32
        %sub3A_331 = arith.constant 1 : i32
        %sub3A_332 = arith.subi %scan3A_311, %sub3A_331 : i32
        %select_n3A_333 = arith.select %eq3A_328, %sub3A_332, %scan3A_311 : i32
        %eq3A_334 = arith.constant -1 : i32
        %eq3A_335 = arith.cmpi eq, %select_n3A_333, %eq3A_334 : i32
        %select_n3A_336 = arith.constant 1 : i32
        %select_n3A_337 = arith.select %eq3A_335, %select_n3A_336, %select_n3A_333 : i32
        %select_n3A_338 = arith.constant 0 : i32
        %select_n3A_339 = arith.constant -1 : i32
        %select_n3A_340 = arith.select %eq3A_335, %select_n3A_339, %select_n3A_338 : i32
        %eq3A_341 = arith.constant -1 : i32
        %eq3A_342 = arith.cmpi eq, %select_n3A_340, %eq3A_341 : i32
        %select_n3A_343 = arith.constant 0 : i32
        %select_n3A_344 = arith.select %eq3A_342, %select_n3A_343, %select_n3A_340 : i32
        %add3A_345 = arith.constant 0 : i32
        %add3A_346 = arith.addi %add3A_345, %mul3A_6 : i32
        %add3A_347 = arith.constant 0 : i32
        %add3A_348 = arith.addi %select_n3A_337, %add3A_347 : i32
        %add3A_349 = arith.constant 0 : i32
        %add3A_350 = arith.addi %select_n3A_330, %add3A_349 : i32
        %add3A_351 = arith.constant 1 : i32
        %add3A_352 = arith.addi %scan3A_312, %add3A_351 : i32
        %select_n3A_353 = arith.constant true
        %select_n3A_354 = arith.select %select_n3A_353, %add3A_352, %scan3A_312 : i32
        %eq3A_355 = arith.constant 64 : i32
        %eq3A_356 = arith.cmpi eq, %select_n3A_354, %eq3A_355 : i32
        %select_n3A_357 = arith.constant 0 : i32
        %select_n3A_358 = arith.select %eq3A_356, %select_n3A_357, %select_n3A_354 : i32
        %add3A_359 = arith.constant 1 : i32
        %add3A_360 = arith.addi %scan3A_311, %add3A_359 : i32
        %select_n3A_361 = arith.select %eq3A_356, %add3A_360, %scan3A_311 : i32
        %eq3A_362 = arith.constant 2 : i32
        %eq3A_363 = arith.cmpi eq, %select_n3A_361, %eq3A_362 : i32
        %select_n3A_364 = arith.constant 0 : i32
        %select_n3A_365 = arith.select %eq3A_363, %select_n3A_364, %select_n3A_361 : i32
        %select_n3A_366 = arith.constant 0 : i32
        %select_n3A_367 = arith.constant 1 : i32
        %select_n3A_368 = arith.select %eq3A_363, %select_n3A_367, %select_n3A_366 : i32
        %eq3A_369 = arith.constant 1 : i32
        %eq3A_370 = arith.cmpi eq, %select_n3A_368, %eq3A_369 : i32
        %select_n3A_371 = arith.constant 0 : i32
        %select_n3A_372 = arith.select %eq3A_370, %select_n3A_371, %select_n3A_368 : i32
        %add3A_373 = arith.constant 0 : i32
        %add3A_374 = arith.addi %add3A_373, %mul3A_6 : i32
        %add3A_375 = arith.constant 0 : i32
        %add3A_376 = arith.addi %select_n3A_365, %add3A_375 : i32
        %add3A_377 = arith.constant 0 : i32
        %add3A_378 = arith.addi %select_n3A_358, %add3A_377 : i32
        %add3A_379 = arith.constant 1 : i32
        %add3A_380 = arith.addi %select_n3A_358, %add3A_379 : i32
        %select_n3A_381 = arith.constant true
        %select_n3A_382 = arith.select %select_n3A_381, %add3A_380, %select_n3A_358 : i32
        %eq3A_383 = arith.constant 64 : i32
        %eq3A_384 = arith.cmpi eq, %select_n3A_382, %eq3A_383 : i32
        %select_n3A_385 = arith.constant 0 : i32
        %select_n3A_386 = arith.select %eq3A_384, %select_n3A_385, %select_n3A_382 : i32
        %add3A_387 = arith.constant 1 : i32
        %add3A_388 = arith.addi %select_n3A_365, %add3A_387 : i32
        %select_n3A_389 = arith.select %eq3A_384, %add3A_388, %select_n3A_365 : i32
        %eq3A_390 = arith.constant 2 : i32
        %eq3A_391 = arith.cmpi eq, %select_n3A_389, %eq3A_390 : i32
        %select_n3A_392 = arith.constant 0 : i32
        %select_n3A_393 = arith.select %eq3A_391, %select_n3A_392, %select_n3A_389 : i32
        %select_n3A_394 = arith.constant 0 : i32
        %select_n3A_395 = arith.constant 1 : i32
        %select_n3A_396 = arith.select %eq3A_391, %select_n3A_395, %select_n3A_394 : i32
        %eq3A_397 = arith.constant 1 : i32
        %eq3A_398 = arith.cmpi eq, %select_n3A_396, %eq3A_397 : i32
        %select_n3A_399 = arith.constant 0 : i32
        %select_n3A_400 = arith.select %eq3A_398, %select_n3A_399, %select_n3A_396 : i32
        %add3A_401 = arith.constant 0 : i32
        %add3A_402 = arith.addi %add3A_401, %mul3A_6 : i32
        %add3A_403 = arith.constant 0 : i32
        %add3A_404 = arith.addi %select_n3A_393, %add3A_403 : i32
        %add3A_405 = arith.constant 0 : i32
        %add3A_406 = arith.addi %select_n3A_386, %add3A_405 : i32
        %mul3A_407 = arith.constant 2 : i32
        %mul3A_408 = arith.muli %add3A_318, %mul3A_407 : i32
        %add3A_409 = arith.addi %mul3A_408, %add3A_320 : i32
        %mul3A_410 = arith.constant 2 : i32
        %mul3A_411 = arith.muli %add3A_374, %mul3A_410 : i32
        %add3A_412 = arith.addi %mul3A_411, %add3A_376 : i32
        %ne3A = arith.cmpi ne, %add3A_322, %add3A_378 : i32
        %ne3A_413 = arith.cmpi ne, %add3A_409, %add3A_412 : i32
        %or3A = arith.constant false
        %or3A_414 = arith.ori %or3A, %ne3A : i1
        %or3A_415 = arith.ori %or3A_414, %ne3A_413 : i1
        %or3A_416 = arith.constant false
        %or3A_417 = arith.ori %or3A_415, %or3A_416 : i1
        %ge3A = arith.constant 127 : i32
        %ge3A_418 = arith.cmpi sge, %scan3A_303, %ge3A : i32
        %not3A = arith.constant true
        %not3A_419 = arith.xori %ge3A_418, %not3A : i1
        %and3A = arith.andi %or3A_417, %not3A_419 : i1
        %convert_element_type3A = arith.extui %and3A : i1 to i32
        %cond3A = arith.constant 0 : i32
        %cond3A_420 = arith.cmpi ne, %convert_element_type3A, %cond3A : i32
        scf.if %cond3A_420 {
          "tpu.trace_start"() <{level = 10 : i32, message = "ep_copy_in"}> : () -> ()
          %rem3A_705 = arith.constant 2 : i32
          %rem3A_706 = arith.remui %scan3A_304, %rem3A_705 : i32
          %mul3A_707 = arith.constant 2 : i32
          %mul3A_708 = arith.muli %add3A_374, %mul3A_707 : i32
          %add3A_709 = arith.addi %mul3A_708, %add3A_376 : i32
          %mul3A_710 = arith.constant 1 : i32
          %mul3A_711 = arith.muli %mul3A_710, %add3A_378 : i32
          %mul3A_712 = arith.constant 16 : i32
          %mul3A_713 = arith.muli %mul3A_712, %add3A_709 : i32
          %dma_start3A_714 = arith.constant 0 : i32
          %dma_start3A_715 = arith.constant 0 : i32
          %dma_start3A_716 = arith.constant 0 : i32
          %dma_start3A_717 = tpu.memref_slice %run_scoped3A[%rem3A_706, %dma_start3A_714, %dma_start3A_715, %dma_start3A_716] : memref<2x1x16x768xf32, #tpu.memory_space<vmem>> -> memref<1x1x16x768xf32, #tpu.memory_space<vmem>>
          %dma_start3A_718 = tpu.memref_squeeze %dma_start3A_717 : memref<1x1x16x768xf32, #tpu.memory_space<vmem>> -> memref<1x16x768xf32, #tpu.memory_space<vmem>>
          %dma_start3A_719 = arith.constant 0 : i32
          %dma_start3A_720 = tpu.memref_slice %arg2[%mul3A_711, %mul3A_713, %dma_start3A_719] : memref<64x1024x768xf32, #tpu.memory_space<hbm>> -> memref<1x16x768xf32, #tpu.memory_space<hbm>>
          %dma_start3A_721 = tpu.memref_slice %run_scoped3A_7[%rem3A_706] : memref<2x!tpu.dma_semaphore, #tpu.memory_space<semaphore_mem>> -> memref<1x!tpu.dma_semaphore, #tpu.memory_space<semaphore_mem>>
          %dma_start3A_722 = tpu.memref_squeeze %dma_start3A_721 : memref<1x!tpu.dma_semaphore, #tpu.memory_space<semaphore_mem>> -> memref<!tpu.dma_semaphore, #tpu.memory_space<semaphore_mem>>
          %dma_start3A_723 = arith.constant 0 : i32
          %dma_start3A_724 = arith.constant 0 : i32
          %dma_start3A_725 = arith.constant 0 : i32
          %dma_start3A_726 = tpu.memref_slice %run_scoped3A[%rem3A_706, %dma_start3A_723, %dma_start3A_724, %dma_start3A_725] : memref<2x1x16x768xf32, #tpu.memory_space<vmem>> -> memref<1x1x16x768xf32, #tpu.memory_space<vmem>>
          %dma_start3A_727 = tpu.memref_squeeze %dma_start3A_726 : memref<1x1x16x768xf32, #tpu.memory_space<vmem>> -> memref<1x16x768xf32, #tpu.memory_space<vmem>>
          %dma_start3A_728 = arith.constant 0 : i32
          %dma_start3A_729 = tpu.memref_slice %arg2[%mul3A_711, %mul3A_713, %dma_start3A_728] : memref<64x1024x768xf32, #tpu.memory_space<hbm>> -> memref<1x16x768xf32, #tpu.memory_space<hbm>>
          tpu.enqueue_dma source(%dma_start3A_729 : memref<1x16x768xf32, #tpu.memory_space<hbm>>) target(%dma_start3A_727 : memref<1x16x768xf32, #tpu.memory_space<vmem>>) target_semaphore(%dma_start3A_722 : memref<!tpu.dma_semaphore, #tpu.memory_space<semaphore_mem>>)
          "tpu.trace_stop"() : () -> ()
        } else {
        }
        %and3A_421 = arith.constant true
        %and3A_422 = arith.andi %and3A, %and3A_421 : i1
        %add3A_423 = arith.constant 1 : i32
        %add3A_424 = arith.addi %scan3A_304, %add3A_423 : i32
        %select_n3A_425 = arith.select %and3A_422, %add3A_424, %scan3A_304 : i32
        %mul3A_426 = arith.constant 2 : i32
        %mul3A_427 = arith.muli %add3A_318, %mul3A_426 : i32
        %add3A_428 = arith.addi %mul3A_427, %add3A_320 : i32
        %mul3A_429 = arith.constant 2 : i32
        %mul3A_430 = arith.muli %add3A_374, %mul3A_429 : i32
        %add3A_431 = arith.addi %mul3A_430, %add3A_376 : i32
        %ne3A_432 = arith.cmpi ne, %add3A_428, %add3A_431 : i32
        %or3A_433 = arith.constant false
        %or3A_434 = arith.ori %or3A_433, %ne3A_432 : i1
        %or3A_435 = arith.constant false
        %or3A_436 = arith.ori %or3A_434, %or3A_435 : i1
        %ge3A_437 = arith.constant 127 : i32
        %ge3A_438 = arith.cmpi sge, %scan3A_303, %ge3A_437 : i32
        %not3A_439 = arith.constant true
        %not3A_440 = arith.xori %ge3A_438, %not3A_439 : i1
        %and3A_441 = arith.andi %or3A_436, %not3A_440 : i1
        %convert_element_type3A_442 = arith.extui %and3A_441 : i1 to i32
        %cond3A_443 = arith.constant 0 : i32
        %cond3A_444 = arith.cmpi ne, %convert_element_type3A_442, %cond3A_443 : i32
        scf.if %cond3A_444 {
          "tpu.trace_start"() <{level = 10 : i32, message = "ep_copy_in"}> : () -> ()
          %rem3A_705 = arith.constant 2 : i32
          %rem3A_706 = arith.remui %scan3A_306, %rem3A_705 : i32
          %mul3A_707 = arith.constant 2 : i32
          %mul3A_708 = arith.muli %add3A_374, %mul3A_707 : i32
          %add3A_709 = arith.addi %mul3A_708, %add3A_376 : i32
          %mul3A_710 = arith.constant 16 : i32
          %mul3A_711 = arith.muli %mul3A_710, %add3A_709 : i32
          %dma_start3A_712 = arith.constant 0 : i32
          %dma_start3A_713 = arith.constant 0 : i32
          %dma_start3A_714 = tpu.memref_slice %run_scoped3A_8[%rem3A_706, %dma_start3A_712, %dma_start3A_713] : memref<2x16x768xf32, #tpu.memory_space<vmem>> -> memref<1x16x768xf32, #tpu.memory_space<vmem>>
          %dma_start3A_715 = tpu.memref_squeeze %dma_start3A_714 : memref<1x16x768xf32, #tpu.memory_space<vmem>> -> memref<16x768xf32, #tpu.memory_space<vmem>>
          %dma_start3A_716 = arith.constant 0 : i32
          %dma_start3A_717 = tpu.memref_slice %arg3[%mul3A_711, %dma_start3A_716] : memref<1024x768xf32, #tpu.memory_space<hbm>> -> memref<16x768xf32, #tpu.memory_space<hbm>>
          %dma_start3A_718 = tpu.memref_slice %run_scoped3A_9[%rem3A_706] : memref<2x!tpu.dma_semaphore, #tpu.memory_space<semaphore_mem>> -> memref<1x!tpu.dma_semaphore, #tpu.memory_space<semaphore_mem>>
          %dma_start3A_719 = tpu.memref_squeeze %dma_start3A_718 : memref<1x!tpu.dma_semaphore, #tpu.memory_space<semaphore_mem>> -> memref<!tpu.dma_semaphore, #tpu.memory_space<semaphore_mem>>
          %dma_start3A_720 = arith.constant 0 : i32
          %dma_start3A_721 = arith.constant 0 : i32
          %dma_start3A_722 = tpu.memref_slice %run_scoped3A_8[%rem3A_706, %dma_start3A_720, %dma_start3A_721] : memref<2x16x768xf32, #tpu.memory_space<vmem>> -> memref<1x16x768xf32, #tpu.memory_space<vmem>>
          %dma_start3A_723 = tpu.memref_squeeze %dma_start3A_722 : memref<1x16x768xf32, #tpu.memory_space<vmem>> -> memref<16x768xf32, #tpu.memory_space<vmem>>
          %dma_start3A_724 = arith.constant 0 : i32
          %dma_start3A_725 = tpu.memref_slice %arg3[%mul3A_711, %dma_start3A_724] : memref<1024x768xf32, #tpu.memory_space<hbm>> -> memref<16x768xf32, #tpu.memory_space<hbm>>
          tpu.enqueue_dma source(%dma_start3A_725 : memref<16x768xf32, #tpu.memory_space<hbm>>) target(%dma_start3A_723 : memref<16x768xf32, #tpu.memory_space<vmem>>) target_semaphore(%dma_start3A_719 : memref<!tpu.dma_semaphore, #tpu.memory_space<semaphore_mem>>)
          "tpu.trace_stop"() : () -> ()
        } else {
        }
        %and3A_445 = arith.constant true
        %and3A_446 = arith.andi %and3A_441, %and3A_445 : i1
        %add3A_447 = arith.constant 1 : i32
        %add3A_448 = arith.addi %scan3A_306, %add3A_447 : i32
        %select_n3A_449 = arith.select %and3A_446, %add3A_448, %scan3A_306 : i32
        %mul3A_450 = arith.constant 2 : i32
        %mul3A_451 = arith.muli %add3A_318, %mul3A_450 : i32
        %add3A_452 = arith.addi %mul3A_451, %add3A_320 : i32
        %mul3A_453 = arith.constant 2 : i32
        %mul3A_454 = arith.muli %add3A_374, %mul3A_453 : i32
        %add3A_455 = arith.addi %mul3A_454, %add3A_376 : i32
        %ne3A_456 = arith.cmpi ne, %add3A_322, %add3A_378 : i32
        %ne3A_457 = arith.cmpi ne, %add3A_452, %add3A_455 : i32
        %or3A_458 = arith.constant false
        %or3A_459 = arith.ori %or3A_458, %ne3A_456 : i1
        %or3A_460 = arith.ori %or3A_459, %ne3A_457 : i1
        %or3A_461 = arith.constant false
        %or3A_462 = arith.ori %or3A_460, %or3A_461 : i1
        %ge3A_463 = arith.constant 127 : i32
        %ge3A_464 = arith.cmpi sge, %scan3A_303, %ge3A_463 : i32
        %not3A_465 = arith.constant true
        %not3A_466 = arith.xori %ge3A_464, %not3A_465 : i1
        %and3A_467 = arith.andi %or3A_462, %not3A_466 : i1
        %mul3A_468 = arith.constant 2 : i32
        %mul3A_469 = arith.muli %add3A_318, %mul3A_468 : i32
        %add3A_470 = arith.addi %mul3A_469, %add3A_320 : i32
        %mul3A_471 = arith.constant 2 : i32
        %mul3A_472 = arith.muli %add3A_346, %mul3A_471 : i32
        %add3A_473 = arith.addi %mul3A_472, %add3A_348 : i32
        %ne3A_474 = arith.cmpi ne, %add3A_322, %add3A_350 : i32
        %ne3A_475 = arith.cmpi ne, %add3A_470, %add3A_473 : i32
        %or3A_476 = arith.constant false
        %or3A_477 = arith.ori %or3A_476, %ne3A_474 : i1
        %or3A_478 = arith.ori %or3A_477, %ne3A_475 : i1
        %or3A_479 = arith.constant false
        %or3A_480 = arith.ori %or3A_478, %or3A_479 : i1
        %or3A_481 = arith.ori %or3A_480, %eq3A_314 : i1
        %convert_element_type3A_482 = arith.extui %or3A_481 : i1 to i32
        %cond3A_483 = arith.constant 0 : i32
        %cond3A_484 = arith.cmpi ne, %convert_element_type3A_482, %cond3A_483 : i32
        scf.if %cond3A_484 {
          "tpu.trace_start"() <{level = 10 : i32, message = "ep_wait_in"}> : () -> ()
          %mul3A_705 = arith.constant 2 : i32
          %mul3A_706 = arith.muli %add3A_318, %mul3A_705 : i32
          %add3A_707 = arith.addi %mul3A_706, %add3A_320 : i32
          %mul3A_708 = arith.constant 1 : i32
          %mul3A_709 = arith.muli %mul3A_708, %add3A_322 : i32
          %mul3A_710 = arith.constant 16 : i32
          %mul3A_711 = arith.muli %mul3A_710, %add3A_707 : i32
          %rem3A_712 = arith.constant 2 : i32
          %rem3A_713 = arith.remui %scan3A_305, %rem3A_712 : i32
          %dma_wait3A_714 = arith.constant 0 : i32
          %dma_wait3A_715 = arith.constant 0 : i32
          %dma_wait3A_716 = arith.constant 0 : i32
          %dma_wait3A_717 = tpu.memref_slice %run_scoped3A[%rem3A_713, %dma_wait3A_714, %dma_wait3A_715, %dma_wait3A_716] : memref<2x1x16x768xf32, #tpu.memory_space<vmem>> -> memref<1x1x16x768xf32, #tpu.memory_space<vmem>>
          %dma_wait3A_718 = tpu.memref_squeeze %dma_wait3A_717 : memref<1x1x16x768xf32, #tpu.memory_space<vmem>> -> memref<1x16x768xf32, #tpu.memory_space<vmem>>
          %dma_wait3A_719 = arith.constant 0 : i32
          %dma_wait3A_720 = tpu.memref_slice %arg2[%mul3A_709, %mul3A_711, %dma_wait3A_719] : memref<64x1024x768xf32, #tpu.memory_space<hbm>> -> memref<1x16x768xf32, #tpu.memory_space<hbm>>
          %dma_wait3A_721 = tpu.memref_slice %run_scoped3A_7[%rem3A_713] : memref<2x!tpu.dma_semaphore, #tpu.memory_space<semaphore_mem>> -> memref<1x!tpu.dma_semaphore, #tpu.memory_space<semaphore_mem>>
          %dma_wait3A_722 = tpu.memref_squeeze %dma_wait3A_721 : memref<1x!tpu.dma_semaphore, #tpu.memory_space<semaphore_mem>> -> memref<!tpu.dma_semaphore, #tpu.memory_space<semaphore_mem>>
          %dma_wait3A_723 = arith.constant 0 : i32
          %dma_wait3A_724 = arith.constant 0 : i32
          %dma_wait3A_725 = arith.constant 0 : i32
          %dma_wait3A_726 = tpu.memref_slice %run_scoped3A[%rem3A_713, %dma_wait3A_723, %dma_wait3A_724, %dma_wait3A_725] : memref<2x1x16x768xf32, #tpu.memory_space<vmem>> -> memref<1x1x16x768xf32, #tpu.memory_space<vmem>>
          %dma_wait3A_727 = tpu.memref_squeeze %dma_wait3A_726 : memref<1x1x16x768xf32, #tpu.memory_space<vmem>> -> memref<1x16x768xf32, #tpu.memory_space<vmem>>
          %dma_wait3A_728 = arith.constant 0 : i32
          %dma_wait3A_729 = tpu.memref_slice %arg2[%mul3A_709, %mul3A_711, %dma_wait3A_728] : memref<64x1024x768xf32, #tpu.memory_space<hbm>> -> memref<1x16x768xf32, #tpu.memory_space<hbm>>
          tpu.wait_dma2 semaphore(%dma_wait3A_722 : memref<!tpu.dma_semaphore, #tpu.memory_space<semaphore_mem>>) src(%dma_wait3A_729 : memref<1x16x768xf32, #tpu.memory_space<hbm>>) dst(%dma_wait3A_727 : memref<1x16x768xf32, #tpu.memory_space<vmem>>)
          "tpu.trace_stop"() : () -> ()
        } else {
        }
        %mul3A_485 = arith.constant 2 : i32
        %mul3A_486 = arith.muli %add3A_318, %mul3A_485 : i32
        %add3A_487 = arith.addi %mul3A_486, %add3A_320 : i32
        %mul3A_488 = arith.constant 2 : i32
        %mul3A_489 = arith.muli %add3A_346, %mul3A_488 : i32
        %add3A_490 = arith.addi %mul3A_489, %add3A_348 : i32
        %ne3A_491 = arith.cmpi ne, %add3A_487, %add3A_490 : i32
        %or3A_492 = arith.constant false
        %or3A_493 = arith.ori %or3A_492, %ne3A_491 : i1
        %or3A_494 = arith.constant false
        %or3A_495 = arith.ori %or3A_493, %or3A_494 : i1
        %or3A_496 = arith.ori %or3A_495, %eq3A_314 : i1
        %convert_element_type3A_497 = arith.extui %or3A_496 : i1 to i32
        %cond3A_498 = arith.constant 0 : i32
        %cond3A_499 = arith.cmpi ne, %convert_element_type3A_497, %cond3A_498 : i32
        scf.if %cond3A_499 {
          "tpu.trace_start"() <{level = 10 : i32, message = "ep_wait_in"}> : () -> ()
          %mul3A_705 = arith.constant 2 : i32
          %mul3A_706 = arith.muli %add3A_318, %mul3A_705 : i32
          %add3A_707 = arith.addi %mul3A_706, %add3A_320 : i32
          %mul3A_708 = arith.constant 16 : i32
          %mul3A_709 = arith.muli %mul3A_708, %add3A_707 : i32
          %rem3A_710 = arith.constant 2 : i32
          %rem3A_711 = arith.remui %scan3A_307, %rem3A_710 : i32
          %dma_wait3A_712 = arith.constant 0 : i32
          %dma_wait3A_713 = arith.constant 0 : i32
          %dma_wait3A_714 = tpu.memref_slice %run_scoped3A_8[%rem3A_711, %dma_wait3A_712, %dma_wait3A_713] : memref<2x16x768xf32, #tpu.memory_space<vmem>> -> memref<1x16x768xf32, #tpu.memory_space<vmem>>
          %dma_wait3A_715 = tpu.memref_squeeze %dma_wait3A_714 : memref<1x16x768xf32, #tpu.memory_space<vmem>> -> memref<16x768xf32, #tpu.memory_space<vmem>>
          %dma_wait3A_716 = arith.constant 0 : i32
          %dma_wait3A_717 = tpu.memref_slice %arg3[%mul3A_709, %dma_wait3A_716] : memref<1024x768xf32, #tpu.memory_space<hbm>> -> memref<16x768xf32, #tpu.memory_space<hbm>>
          %dma_wait3A_718 = tpu.memref_slice %run_scoped3A_9[%rem3A_711] : memref<2x!tpu.dma_semaphore, #tpu.memory_space<semaphore_mem>> -> memref<1x!tpu.dma_semaphore, #tpu.memory_space<semaphore_mem>>
          %dma_wait3A_719 = tpu.memref_squeeze %dma_wait3A_718 : memref<1x!tpu.dma_semaphore, #tpu.memory_space<semaphore_mem>> -> memref<!tpu.dma_semaphore, #tpu.memory_space<semaphore_mem>>
          %dma_wait3A_720 = arith.constant 0 : i32
          %dma_wait3A_721 = arith.constant 0 : i32
          %dma_wait3A_722 = tpu.memref_slice %run_scoped3A_8[%rem3A_711, %dma_wait3A_720, %dma_wait3A_721] : memref<2x16x768xf32, #tpu.memory_space<vmem>> -> memref<1x16x768xf32, #tpu.memory_space<vmem>>
          %dma_wait3A_723 = tpu.memref_squeeze %dma_wait3A_722 : memref<1x16x768xf32, #tpu.memory_space<vmem>> -> memref<16x768xf32, #tpu.memory_space<vmem>>
          %dma_wait3A_724 = arith.constant 0 : i32
          %dma_wait3A_725 = tpu.memref_slice %arg3[%mul3A_709, %dma_wait3A_724] : memref<1024x768xf32, #tpu.memory_space<hbm>> -> memref<16x768xf32, #tpu.memory_space<hbm>>
          tpu.wait_dma2 semaphore(%dma_wait3A_719 : memref<!tpu.dma_semaphore, #tpu.memory_space<semaphore_mem>>) src(%dma_wait3A_725 : memref<16x768xf32, #tpu.memory_space<hbm>>) dst(%dma_wait3A_723 : memref<16x768xf32, #tpu.memory_space<vmem>>)
          "tpu.trace_stop"() : () -> ()
        } else {
        }
        %mul3A_500 = arith.constant 2 : i32
        %mul3A_501 = arith.muli %add3A_318, %mul3A_500 : i32
        %add3A_502 = arith.addi %mul3A_501, %add3A_320 : i32
        %mul3A_503 = arith.constant 2 : i32
        %mul3A_504 = arith.muli %add3A_346, %mul3A_503 : i32
        %add3A_505 = arith.addi %mul3A_504, %add3A_348 : i32
        %ne3A_506 = arith.cmpi ne, %add3A_322, %add3A_350 : i32
        %ne3A_507 = arith.cmpi ne, %add3A_502, %add3A_505 : i32
        %or3A_508 = arith.constant false
        %or3A_509 = arith.ori %or3A_508, %ne3A_506 : i1
        %or3A_510 = arith.ori %or3A_509, %ne3A_507 : i1
        %or3A_511 = arith.constant false
        %or3A_512 = arith.ori %or3A_510, %or3A_511 : i1
        %or3A_513 = arith.ori %or3A_512, %eq3A_314 : i1
        %convert_element_type3A_514 = arith.extui %or3A_513 : i1 to i32
        %cond3A_515 = arith.constant 0 : i32
        %cond3A_516 = arith.cmpi ne, %convert_element_type3A_514, %cond3A_515 : i32
        scf.if %cond3A_516 {
        } else {
        }
        %rem3A_517 = arith.constant 2 : i32
        %rem3A_518 = arith.remui %scan3A_305, %rem3A_517 : i32
        %rem3A_519 = arith.constant 2 : i32
        %rem3A_520 = arith.remui %scan3A_307, %rem3A_519 : i32
        %rem3A_521 = arith.constant 2 : i32
        %rem3A_522 = arith.remui %scan3A_308, %rem3A_521 : i32
        "tpu.trace_start"() <{level = 10 : i32, message = "ep_run_kernel"}> : () -> ()
        %scan3A_523 = arith.constant 0 : i32
        %scan3A_524 = arith.constant 16 : i32
        %scan3A_525 = arith.addi %scan3A_523, %scan3A_524 : i32
        %scan3A_526 = arith.constant 1 : i32
        scf.for %scan3A_705 = %scan3A_523 to %scan3A_525 step %scan3A_526  : i32 {
          %mul3A_706 = arith.constant 1 : i32
          %mul3A_707 = arith.muli %scan3A_705, %mul3A_706 : i32
          %add3A_708 = arith.constant 0 : i32
          %add3A_709 = arith.addi %add3A_708, %mul3A_707 : i32
          %scan3A_710 = arith.constant 0 : i32
          %scan3A_711 = arith.constant 48 : i32
          %scan3A_712 = arith.addi %scan3A_710, %scan3A_711 : i32
          %scan3A_713 = arith.constant 1 : i32
          scf.for %scan3A_715 = %scan3A_710 to %scan3A_712 step %scan3A_713  : i32 {
            %mul3A_716 = arith.constant 16 : i32
            %mul3A_717 = arith.muli %scan3A_715, %mul3A_716 : i32
            %add3A_718 = arith.constant 0 : i32
            %add3A_719 = arith.addi %add3A_718, %mul3A_717 : i32
            %get3A = arith.constant 0 : i32
            %get3A_720 = arith.constant 0 : i32
            %get3A_721 = arith.constant 0 : i32
            %get3A_722 = arith.constant 0 : i32
            %get3A_723 = tpu.memref_slice %run_scoped3A[%rem3A_518, %get3A_720, %get3A_721, %get3A_722] : memref<2x1x16x768xf32, #tpu.memory_space<vmem>> -> memref<1x1x16x768xf32, #tpu.memory_space<vmem>>
            %get3A_724 = tpu.memref_squeeze %get3A_723 : memref<1x1x16x768xf32, #tpu.memory_space<vmem>> -> memref<1x16x768xf32, #tpu.memory_space<vmem>>
            %get3A_725 = arith.index_cast %get3A : i32 to index
            %get3A_726 = arith.index_cast %add3A_709 : i32 to index
            %get3A_727 = arith.index_cast %add3A_719 : i32 to index
            %get3A_728 = tpu.vector_load %get3A_724[%get3A_725, %get3A_726, %get3A_727] {strides = array<i32>} : memref<1x16x768xf32, #tpu.memory_space<vmem>>, vector<1x1x16xf32>,
            %get3A_729 = vector.shape_cast %get3A_728 : vector<1x1x16xf32> to vector<16xf32>
            %get3A_730 = arith.constant 0 : i32
            %get3A_731 = arith.constant 0 : i32
            %get3A_732 = tpu.memref_slice %run_scoped3A_8[%rem3A_520, %get3A_730, %get3A_731] : memref<2x16x768xf32, #tpu.memory_space<vmem>> -> memref<1x16x768xf32, #tpu.memory_space<vmem>>
            %get3A_733 = tpu.memref_squeeze %get3A_732 : memref<1x16x768xf32, #tpu.memory_space<vmem>> -> memref<16x768xf32, #tpu.memory_space<vmem>>
            %get3A_734 = arith.index_cast %add3A_709 : i32 to index
            %get3A_735 = arith.index_cast %add3A_719 : i32 to index
            %get3A_736 = tpu.vector_load %get3A_733[%get3A_734, %get3A_735] {strides = array<i32>} : memref<16x768xf32, #tpu.memory_space<vmem>>, vector<1x16xf32>,
            %get3A_737 = vector.shape_cast %get3A_736 : vector<1x16xf32> to vector<16xf32>
            %add3A_738 = arith.addf %get3A_729, %get3A_737 : vector<16xf32>
            %swap3A = arith.constant 0 : i32
            %swap3A_739 = arith.constant 0 : i32
            %swap3A_740 = arith.constant 0 : i32
            %swap3A_741 = arith.constant 0 : i32
            %swap3A_742 = tpu.memref_slice %run_scoped3A_10[%rem3A_522, %swap3A_739, %swap3A_740, %swap3A_741] : memref<2x1x16x768xf32, #tpu.memory_space<vmem>> -> memref<1x1x16x768xf32, #tpu.memory_space<vmem>>
            %swap3A_743 = tpu.memref_squeeze %swap3A_742 : memref<1x1x16x768xf32, #tpu.memory_space<vmem>> -> memref<1x16x768xf32, #tpu.memory_space<vmem>>
            %swap3A_744 = arith.index_cast %swap3A : i32 to index
            %swap3A_745 = arith.index_cast %add3A_709 : i32 to index
            %swap3A_746 = arith.index_cast %add3A_719 : i32 to index
            %swap3A_747 = tpu.vector_load %swap3A_743[%swap3A_744, %swap3A_745, %swap3A_746] {strides = array<i32>} : memref<1x16x768xf32, #tpu.memory_space<vmem>>, vector<1x1x16xf32>,
            %swap3A_748 = vector.shape_cast %swap3A_747 : vector<1x1x16xf32> to vector<16xf32>
            %swap3A_749 = vector.shape_cast %add3A_738 : vector<16xf32> to vector<1x1x16xf32>
            tpu.vector_store %swap3A_743[%swap3A_744, %swap3A_745, %swap3A_746], %swap3A_749 {strides = array<i32>} : memref<1x16x768xf32, #tpu.memory_space<vmem>>, vector<1x1x16xf32>,
          }
          %scan3A_714 = arith.constant 48 : i32
        }
        %scan3A_527 = arith.constant 16 : i32
        "tpu.trace_stop"() : () -> ()
        %mul3A_528 = arith.constant 2 : i32
        %mul3A_529 = arith.muli %add3A_318, %mul3A_528 : i32
        %add3A_530 = arith.addi %mul3A_529, %add3A_320 : i32
        %mul3A_531 = arith.constant 2 : i32
        %mul3A_532 = arith.muli %add3A_374, %mul3A_531 : i32
        %add3A_533 = arith.addi %mul3A_532, %add3A_376 : i32
        %ne3A_534 = arith.cmpi ne, %add3A_322, %add3A_378 : i32
        %ne3A_535 = arith.cmpi ne, %add3A_530, %add3A_533 : i32
        %or3A_536 = arith.constant false
        %or3A_537 = arith.ori %or3A_536, %ne3A_534 : i1
        %or3A_538 = arith.ori %or3A_537, %ne3A_535 : i1
        %or3A_539 = arith.constant false
        %or3A_540 = arith.ori %or3A_538, %or3A_539 : i1
        %or3A_541 = arith.ori %or3A_540, %eq3A_316 : i1
        %convert_element_type3A_542 = arith.extui %or3A_541 : i1 to i32
        %cond3A_543 = arith.constant 0 : i32
        %cond3A_544 = arith.cmpi ne, %convert_element_type3A_542, %cond3A_543 : i32
        scf.if %cond3A_544 {
        } else {
        }
        %and3A_545 = arith.constant false
        %and3A_546 = arith.andi %or3A_541, %and3A_545 : i1
        %mul3A_547 = arith.constant 2 : i32
        %mul3A_548 = arith.muli %add3A_318, %mul3A_547 : i32
        %add3A_549 = arith.addi %mul3A_548, %add3A_320 : i32
        %mul3A_550 = arith.constant 2 : i32
        %mul3A_551 = arith.muli %add3A_374, %mul3A_550 : i32
        %add3A_552 = arith.addi %mul3A_551, %add3A_376 : i32
        %ne3A_553 = arith.cmpi ne, %add3A_549, %add3A_552 : i32
        %or3A_554 = arith.constant false
        %or3A_555 = arith.ori %or3A_554, %ne3A_553 : i1
        %or3A_556 = arith.constant false
        %or3A_557 = arith.ori %or3A_555, %or3A_556 : i1
        %or3A_558 = arith.ori %or3A_557, %eq3A_316 : i1
        %convert_element_type3A_559 = arith.extui %or3A_558 : i1 to i32
        %cond3A_560 = arith.constant 0 : i32
        %cond3A_561 = arith.cmpi ne, %convert_element_type3A_559, %cond3A_560 : i32
        scf.if %cond3A_561 {
        } else {
        }
        %and3A_562 = arith.constant false
        %and3A_563 = arith.andi %or3A_558, %and3A_562 : i1
        %mul3A_564 = arith.constant 2 : i32
        %mul3A_565 = arith.muli %add3A_318, %mul3A_564 : i32
        %add3A_566 = arith.addi %mul3A_565, %add3A_320 : i32
        %mul3A_567 = arith.constant 2 : i32
        %mul3A_568 = arith.muli %add3A_374, %mul3A_567 : i32
        %add3A_569 = arith.addi %mul3A_568, %add3A_376 : i32
        %ne3A_570 = arith.cmpi ne, %add3A_322, %add3A_378 : i32
        %ne3A_571 = arith.cmpi ne, %add3A_566, %add3A_569 : i32
        %or3A_572 = arith.constant false
        %or3A_573 = arith.ori %or3A_572, %ne3A_570 : i1
        %or3A_574 = arith.ori %or3A_573, %ne3A_571 : i1
        %or3A_575 = arith.constant false
        %or3A_576 = arith.ori %or3A_574, %or3A_575 : i1
        %or3A_577 = arith.ori %or3A_576, %eq3A_316 : i1
        %convert_element_type3A_578 = arith.extui %or3A_577 : i1 to i32
        %cond3A_579 = arith.constant 0 : i32
        %cond3A_580 = arith.cmpi ne, %convert_element_type3A_578, %cond3A_579 : i32
        scf.if %cond3A_580 {
          "tpu.trace_start"() <{level = 10 : i32, message = "ep_copy_out"}> : () -> ()
          %rem3A_705 = arith.constant 2 : i32
          %rem3A_706 = arith.remui %scan3A_308, %rem3A_705 : i32
          %mul3A_707 = arith.constant 2 : i32
          %mul3A_708 = arith.muli %add3A_318, %mul3A_707 : i32
          %add3A_709 = arith.addi %mul3A_708, %add3A_320 : i32
          %mul3A_710 = arith.constant 1 : i32
          %mul3A_711 = arith.muli %mul3A_710, %add3A_322 : i32
          %mul3A_712 = arith.constant 16 : i32
          %mul3A_713 = arith.muli %mul3A_712, %add3A_709 : i32
          %dma_start3A_714 = arith.constant 0 : i32
          %dma_start3A_715 = arith.constant 0 : i32
          %dma_start3A_716 = arith.constant 0 : i32
          %dma_start3A_717 = tpu.memref_slice %run_scoped3A_10[%rem3A_706, %dma_start3A_714, %dma_start3A_715, %dma_start3A_716] : memref<2x1x16x768xf32, #tpu.memory_space<vmem>> -> memref<1x1x16x768xf32, #tpu.memory_space<vmem>>
          %dma_start3A_718 = tpu.memref_squeeze %dma_start3A_717 : memref<1x1x16x768xf32, #tpu.memory_space<vmem>> -> memref<1x16x768xf32, #tpu.memory_space<vmem>>
          %dma_start3A_719 = arith.constant 0 : i32
          %dma_start3A_720 = tpu.memref_slice %arg4[%mul3A_711, %mul3A_713, %dma_start3A_719] : memref<64x1024x768xf32, #tpu.memory_space<hbm>> -> memref<1x16x768xf32, #tpu.memory_space<hbm>>
          %dma_start3A_721 = tpu.memref_slice %run_scoped3A_11[%rem3A_706] : memref<2x!tpu.dma_semaphore, #tpu.memory_space<semaphore_mem>> -> memref<1x!tpu.dma_semaphore, #tpu.memory_space<semaphore_mem>>
          %dma_start3A_722 = tpu.memref_squeeze %dma_start3A_721 : memref<1x!tpu.dma_semaphore, #tpu.memory_space<semaphore_mem>> -> memref<!tpu.dma_semaphore, #tpu.memory_space<semaphore_mem>>
          %dma_start3A_723 = arith.constant 0 : i32
          %dma_start3A_724 = tpu.memref_slice %arg4[%mul3A_711, %mul3A_713, %dma_start3A_723] : memref<64x1024x768xf32, #tpu.memory_space<hbm>> -> memref<1x16x768xf32, #tpu.memory_space<hbm>>
          %dma_start3A_725 = arith.constant 0 : i32
          %dma_start3A_726 = arith.constant 0 : i32
          %dma_start3A_727 = arith.constant 0 : i32
          %dma_start3A_728 = tpu.memref_slice %run_scoped3A_10[%rem3A_706, %dma_start3A_725, %dma_start3A_726, %dma_start3A_727] : memref<2x1x16x768xf32, #tpu.memory_space<vmem>> -> memref<1x1x16x768xf32, #tpu.memory_space<vmem>>
          %dma_start3A_729 = tpu.memref_squeeze %dma_start3A_728 : memref<1x1x16x768xf32, #tpu.memory_space<vmem>> -> memref<1x16x768xf32, #tpu.memory_space<vmem>>
          tpu.enqueue_dma source(%dma_start3A_729 : memref<1x16x768xf32, #tpu.memory_space<vmem>>) target(%dma_start3A_724 : memref<1x16x768xf32, #tpu.memory_space<hbm>>) target_semaphore(%dma_start3A_722 : memref<!tpu.dma_semaphore, #tpu.memory_space<semaphore_mem>>)
          "tpu.trace_stop"() : () -> ()
        } else {
        }
        %and3A_581 = arith.constant true
        %and3A_582 = arith.andi %or3A_577, %and3A_581 : i1
        %add3A_583 = arith.constant 1 : i32
        %add3A_584 = arith.addi %scan3A_308, %add3A_583 : i32
        %select_n3A_585 = arith.select %and3A_582, %add3A_584, %scan3A_308 : i32
        %mul3A_586 = arith.constant 2 : i32
        %mul3A_587 = arith.muli %add3A_318, %mul3A_586 : i32
        %add3A_588 = arith.addi %mul3A_587, %add3A_320 : i32
        %mul3A_589 = arith.constant 2 : i32
        %mul3A_590 = arith.muli %add3A_346, %mul3A_589 : i32
        %add3A_591 = arith.addi %mul3A_590, %add3A_348 : i32
        %ne3A_592 = arith.cmpi ne, %add3A_322, %add3A_350 : i32
        %ne3A_593 = arith.cmpi ne, %add3A_588, %add3A_591 : i32
        %or3A_594 = arith.constant false
        %or3A_595 = arith.ori %or3A_594, %ne3A_592 : i1
        %or3A_596 = arith.ori %or3A_595, %ne3A_593 : i1
        %or3A_597 = arith.constant false
        %or3A_598 = arith.ori %or3A_596, %or3A_597 : i1
        %not3A_599 = arith.constant true
        %not3A_600 = arith.xori %eq3A_314, %not3A_599 : i1
        %and3A_601 = arith.andi %or3A_598, %not3A_600 : i1
        %convert_element_type3A_602 = arith.extui %and3A_601 : i1 to i32
        %cond3A_603 = arith.constant 0 : i32
        %cond3A_604 = arith.cmpi ne, %convert_element_type3A_602, %cond3A_603 : i32
        scf.if %cond3A_604 {
        } else {
        }
        %and3A_605 = arith.constant false
        %and3A_606 = arith.andi %and3A_601, %and3A_605 : i1
        %mul3A_607 = arith.constant 2 : i32
        %mul3A_608 = arith.muli %add3A_318, %mul3A_607 : i32
        %add3A_609 = arith.addi %mul3A_608, %add3A_320 : i32
        %mul3A_610 = arith.constant 2 : i32
        %mul3A_611 = arith.muli %add3A_346, %mul3A_610 : i32
        %add3A_612 = arith.addi %mul3A_611, %add3A_348 : i32
        %ne3A_613 = arith.cmpi ne, %add3A_609, %add3A_612 : i32
        %or3A_614 = arith.constant false
        %or3A_615 = arith.ori %or3A_614, %ne3A_613 : i1
        %or3A_616 = arith.constant false
        %or3A_617 = arith.ori %or3A_615, %or3A_616 : i1
        %not3A_618 = arith.constant true
        %not3A_619 = arith.xori %eq3A_314, %not3A_618 : i1
        %and3A_620 = arith.andi %or3A_617, %not3A_619 : i1
        %convert_element_type3A_621 = arith.extui %and3A_620 : i1 to i32
        %cond3A_622 = arith.constant 0 : i32
        %cond3A_623 = arith.cmpi ne, %convert_element_type3A_621, %cond3A_622 : i32
        scf.if %cond3A_623 {
        } else {
        }
        %and3A_624 = arith.constant false
        %and3A_625 = arith.andi %and3A_620, %and3A_624 : i1
        %mul3A_626 = arith.constant 2 : i32
        %mul3A_627 = arith.muli %add3A_318, %mul3A_626 : i32
        %add3A_628 = arith.addi %mul3A_627, %add3A_320 : i32
        %mul3A_629 = arith.constant 2 : i32
        %mul3A_630 = arith.muli %add3A_346, %mul3A_629 : i32
        %add3A_631 = arith.addi %mul3A_630, %add3A_348 : i32
        %ne3A_632 = arith.cmpi ne, %add3A_322, %add3A_350 : i32
        %ne3A_633 = arith.cmpi ne, %add3A_628, %add3A_631 : i32
        %or3A_634 = arith.constant false
        %or3A_635 = arith.ori %or3A_634, %ne3A_632 : i1
        %or3A_636 = arith.ori %or3A_635, %ne3A_633 : i1
        %or3A_637 = arith.constant false
        %or3A_638 = arith.ori %or3A_636, %or3A_637 : i1
        %not3A_639 = arith.constant true
        %not3A_640 = arith.xori %eq3A_314, %not3A_639 : i1
        %and3A_641 = arith.andi %or3A_638, %not3A_640 : i1
        %convert_element_type3A_642 = arith.extui %and3A_641 : i1 to i32
        %cond3A_643 = arith.constant 0 : i32
        %cond3A_644 = arith.cmpi ne, %convert_element_type3A_642, %cond3A_643 : i32
        scf.if %cond3A_644 {
          "tpu.trace_start"() <{level = 10 : i32, message = "ep_wait_out"}> : () -> ()
          %rem3A_705 = arith.constant 2 : i32
          %rem3A_706 = arith.remui %scan3A_309, %rem3A_705 : i32
          %mul3A_707 = arith.constant 2 : i32
          %mul3A_708 = arith.muli %add3A_346, %mul3A_707 : i32
          %add3A_709 = arith.addi %mul3A_708, %add3A_348 : i32
          %mul3A_710 = arith.constant 1 : i32
          %mul3A_711 = arith.muli %mul3A_710, %add3A_350 : i32
          %mul3A_712 = arith.constant 16 : i32
          %mul3A_713 = arith.muli %mul3A_712, %add3A_709 : i32
          %dma_wait3A_714 = arith.constant 0 : i32
          %dma_wait3A_715 = arith.constant 0 : i32
          %dma_wait3A_716 = arith.constant 0 : i32
          %dma_wait3A_717 = tpu.memref_slice %run_scoped3A_10[%rem3A_706, %dma_wait3A_714, %dma_wait3A_715, %dma_wait3A_716] : memref<2x1x16x768xf32, #tpu.memory_space<vmem>> -> memref<1x1x16x768xf32, #tpu.memory_space<vmem>>
          %dma_wait3A_718 = tpu.memref_squeeze %dma_wait3A_717 : memref<1x1x16x768xf32, #tpu.memory_space<vmem>> -> memref<1x16x768xf32, #tpu.memory_space<vmem>>
          %dma_wait3A_719 = arith.constant 0 : i32
          %dma_wait3A_720 = tpu.memref_slice %arg4[%mul3A_711, %mul3A_713, %dma_wait3A_719] : memref<64x1024x768xf32, #tpu.memory_space<hbm>> -> memref<1x16x768xf32, #tpu.memory_space<hbm>>
          %dma_wait3A_721 = tpu.memref_slice %run_scoped3A_11[%rem3A_706] : memref<2x!tpu.dma_semaphore, #tpu.memory_space<semaphore_mem>> -> memref<1x!tpu.dma_semaphore, #tpu.memory_space<semaphore_mem>>
          %dma_wait3A_722 = tpu.memref_squeeze %dma_wait3A_721 : memref<1x!tpu.dma_semaphore, #tpu.memory_space<semaphore_mem>> -> memref<!tpu.dma_semaphore, #tpu.memory_space<semaphore_mem>>
          %dma_wait3A_723 = arith.constant 0 : i32
          %dma_wait3A_724 = tpu.memref_slice %arg4[%mul3A_711, %mul3A_713, %dma_wait3A_723] : memref<64x1024x768xf32, #tpu.memory_space<hbm>> -> memref<1x16x768xf32, #tpu.memory_space<hbm>>
          %dma_wait3A_725 = arith.constant 0 : i32
          %dma_wait3A_726 = arith.constant 0 : i32
          %dma_wait3A_727 = arith.constant 0 : i32
          %dma_wait3A_728 = tpu.memref_slice %run_scoped3A_10[%rem3A_706, %dma_wait3A_725, %dma_wait3A_726, %dma_wait3A_727] : memref<2x1x16x768xf32, #tpu.memory_space<vmem>> -> memref<1x1x16x768xf32, #tpu.memory_space<vmem>>
          %dma_wait3A_729 = tpu.memref_squeeze %dma_wait3A_728 : memref<1x1x16x768xf32, #tpu.memory_space<vmem>> -> memref<1x16x768xf32, #tpu.memory_space<vmem>>
          tpu.wait_dma2 semaphore(%dma_wait3A_722 : memref<!tpu.dma_semaphore, #tpu.memory_space<semaphore_mem>>) src(%dma_wait3A_729 : memref<1x16x768xf32, #tpu.memory_space<vmem>>) dst(%dma_wait3A_724 : memref<1x16x768xf32, #tpu.memory_space<hbm>>)
          "tpu.trace_stop"() : () -> ()
        } else {
        }
        %and3A_645 = arith.constant true
        %and3A_646 = arith.andi %and3A_641, %and3A_645 : i1
        %add3A_647 = arith.constant 1 : i32
        %add3A_648 = arith.addi %scan3A_309, %add3A_647 : i32
        %select_n3A_649 = arith.select %and3A_646, %add3A_648, %scan3A_309 : i32
        %mul3A_650 = arith.constant 2 : i32
        %mul3A_651 = arith.muli %add3A_318, %mul3A_650 : i32
        %add3A_652 = arith.addi %mul3A_651, %add3A_320 : i32
        %mul3A_653 = arith.constant 2 : i32
        %mul3A_654 = arith.muli %add3A_374, %mul3A_653 : i32
        %add3A_655 = arith.addi %mul3A_654, %add3A_376 : i32
        %ne3A_656 = arith.cmpi ne, %add3A_322, %add3A_378 : i32
        %ne3A_657 = arith.cmpi ne, %add3A_652, %add3A_655 : i32
        %or3A_658 = arith.constant false
        %or3A_659 = arith.ori %or3A_658, %ne3A_656 : i1
        %or3A_660 = arith.ori %or3A_659, %ne3A_657 : i1
        %or3A_661 = arith.constant false
        %or3A_662 = arith.ori %or3A_660, %or3A_661 : i1
        %or3A_663 = arith.ori %or3A_662, %eq3A_316 : i1
        %add3A_664 = arith.constant 1 : i32
        %add3A_665 = arith.addi %scan3A_305, %add3A_664 : i32
        %select_n3A_666 = arith.select %or3A_663, %add3A_665, %scan3A_305 : i32
        %mul3A_667 = arith.constant 2 : i32
        %mul3A_668 = arith.muli %add3A_318, %mul3A_667 : i32
        %add3A_669 = arith.addi %mul3A_668, %add3A_320 : i32
        %mul3A_670 = arith.constant 2 : i32
        %mul3A_671 = arith.muli %add3A_374, %mul3A_670 : i32
        %add3A_672 = arith.addi %mul3A_671, %add3A_376 : i32
        %ne3A_673 = arith.cmpi ne, %add3A_669, %add3A_672 : i32
        %or3A_674 = arith.constant false
        %or3A_675 = arith.ori %or3A_674, %ne3A_673 : i1
        %or3A_676 = arith.constant false
        %or3A_677 = arith.ori %or3A_675, %or3A_676 : i1
        %or3A_678 = arith.ori %or3A_677, %eq3A_316 : i1
        %add3A_679 = arith.constant 1 : i32
        %add3A_680 = arith.addi %scan3A_307, %add3A_679 : i32
        %select_n3A_681 = arith.select %or3A_678, %add3A_680, %scan3A_307 : i32
        %add3A_682 = arith.constant 1 : i32
        %add3A_683 = arith.addi %scan3A_312, %add3A_682 : i32
        %select_n3A_684 = arith.constant true
        %select_n3A_685 = arith.select %select_n3A_684, %add3A_683, %scan3A_312 : i32
        %eq3A_686 = arith.constant 64 : i32
        %eq3A_687 = arith.cmpi eq, %select_n3A_685, %eq3A_686 : i32
        %select_n3A_688 = arith.constant 0 : i32
        %select_n3A_689 = arith.select %eq3A_687, %select_n3A_688, %select_n3A_685 : i32
        %add3A_690 = arith.constant 1 : i32
        %add3A_691 = arith.addi %scan3A_311, %add3A_690 : i32
        %select_n3A_692 = arith.select %eq3A_687, %add3A_691, %scan3A_311 : i32
        %eq3A_693 = arith.constant 2 : i32
        %eq3A_694 = arith.cmpi eq, %select_n3A_692, %eq3A_693 : i32
        %select_n3A_695 = arith.constant 0 : i32
        %select_n3A_696 = arith.select %eq3A_694, %select_n3A_695, %select_n3A_692 : i32
        %select_n3A_697 = arith.constant 0 : i32
        %select_n3A_698 = arith.constant 1 : i32
        %select_n3A_699 = arith.select %eq3A_694, %select_n3A_698, %select_n3A_697 : i32
        %eq3A_700 = arith.constant 1 : i32
        %eq3A_701 = arith.cmpi eq, %select_n3A_699, %eq3A_700 : i32
        %select_n3A_702 = arith.constant 0 : i32
        %select_n3A_703 = arith.select %eq3A_701, %select_n3A_702, %select_n3A_699 : i32
        %scan3A_704 = arith.constant 0 : i32
        scf.yield %select_n3A_425, %select_n3A_666, %select_n3A_449, %select_n3A_681, %select_n3A_585, %select_n3A_649, %scan3A_704, %select_n3A_696, %select_n3A_689 : i32, i32, i32, i32, i32, i32, i32, i32, i32
      }
      %scan3A_167 = arith.constant 128 : i32
      %sub3A = arith.constant 1 : i32
      %sub3A_168 = arith.subi %scan3A_166#8, %sub3A : i32
      %select_n3A_169 = arith.constant true
      %select_n3A_170 = arith.select %select_n3A_169, %sub3A_168, %scan3A_166#8 : i32
      %eq3A_171 = arith.constant -1 : i32
      %eq3A_172 = arith.cmpi eq, %select_n3A_170, %eq3A_171 : i32
      %select_n3A_173 = arith.constant 63 : i32
      %select_n3A_174 = arith.select %eq3A_172, %select_n3A_173, %select_n3A_170 : i32
      %sub3A_175 = arith.constant 1 : i32
      %sub3A_176 = arith.subi %scan3A_166#7, %sub3A_175 : i32
      %select_n3A_177 = arith.select %eq3A_172, %sub3A_176, %scan3A_166#7 : i32
      %eq3A_178 = arith.constant -1 : i32
      %eq3A_179 = arith.cmpi eq, %select_n3A_177, %eq3A_178 : i32
      %select_n3A_180 = arith.constant 1 : i32
      %select_n3A_181 = arith.select %eq3A_179, %select_n3A_180, %select_n3A_177 : i32
      %sub3A_182 = arith.constant 1 : i32
      %sub3A_183 = arith.subi %scan3A_166#6, %sub3A_182 : i32
      %select_n3A_184 = arith.select %eq3A_179, %sub3A_183, %scan3A_166#6 : i32
      %eq3A_185 = arith.constant -1 : i32
      %eq3A_186 = arith.cmpi eq, %select_n3A_184, %eq3A_185 : i32
      %select_n3A_187 = arith.constant 0 : i32
      %select_n3A_188 = arith.select %eq3A_186, %select_n3A_187, %select_n3A_184 : i32
      %add3A_189 = arith.constant 0 : i32
      %add3A_190 = arith.addi %add3A_189, %mul3A_6 : i32
      %add3A_191 = arith.constant 0 : i32
      %add3A_192 = arith.addi %select_n3A_181, %add3A_191 : i32
      %add3A_193 = arith.constant 0 : i32
      %add3A_194 = arith.addi %select_n3A_174, %add3A_193 : i32
      %sub3A_195 = arith.constant 1 : i32
      %sub3A_196 = arith.subi %select_n3A_174, %sub3A_195 : i32
      %select_n3A_197 = arith.constant true
      %select_n3A_198 = arith.select %select_n3A_197, %sub3A_196, %select_n3A_174 : i32
      %eq3A_199 = arith.constant -1 : i32
      %eq3A_200 = arith.cmpi eq, %select_n3A_198, %eq3A_199 : i32
      %select_n3A_201 = arith.constant 63 : i32
      %select_n3A_202 = arith.select %eq3A_200, %select_n3A_201, %select_n3A_198 : i32
      %sub3A_203 = arith.constant 1 : i32
      %sub3A_204 = arith.subi %select_n3A_181, %sub3A_203 : i32
      %select_n3A_205 = arith.select %eq3A_200, %sub3A_204, %select_n3A_181 : i32
      %eq3A_206 = arith.constant -1 : i32
      %eq3A_207 = arith.cmpi eq, %select_n3A_205, %eq3A_206 : i32
      %select_n3A_208 = arith.constant 1 : i32
      %select_n3A_209 = arith.select %eq3A_207, %select_n3A_208, %select_n3A_205 : i32
      %select_n3A_210 = arith.constant 0 : i32
      %select_n3A_211 = arith.constant -1 : i32
      %select_n3A_212 = arith.select %eq3A_207, %select_n3A_211, %select_n3A_210 : i32
      %eq3A_213 = arith.constant -1 : i32
      %eq3A_214 = arith.cmpi eq, %select_n3A_212, %eq3A_213 : i32
      %select_n3A_215 = arith.constant 0 : i32
      %select_n3A_216 = arith.select %eq3A_214, %select_n3A_215, %select_n3A_212 : i32
      %add3A_217 = arith.constant 0 : i32
      %add3A_218 = arith.addi %add3A_217, %mul3A_6 : i32
      %add3A_219 = arith.constant 0 : i32
      %add3A_220 = arith.addi %select_n3A_209, %add3A_219 : i32
      %add3A_221 = arith.constant 0 : i32
      %add3A_222 = arith.addi %select_n3A_202, %add3A_221 : i32
      %add3A_223 = arith.constant 1 : i32
      %add3A_224 = arith.addi %select_n3A_174, %add3A_223 : i32
      %select_n3A_225 = arith.constant true
      %select_n3A_226 = arith.select %select_n3A_225, %add3A_224, %select_n3A_174 : i32
      %eq3A_227 = arith.constant 64 : i32
      %eq3A_228 = arith.cmpi eq, %select_n3A_226, %eq3A_227 : i32
      %select_n3A_229 = arith.constant 0 : i32
      %select_n3A_230 = arith.select %eq3A_228, %select_n3A_229, %select_n3A_226 : i32
      %add3A_231 = arith.constant 1 : i32
      %add3A_232 = arith.addi %select_n3A_181, %add3A_231 : i32
      %select_n3A_233 = arith.select %eq3A_228, %add3A_232, %select_n3A_181 : i32
      %eq3A_234 = arith.constant 2 : i32
      %eq3A_235 = arith.cmpi eq, %select_n3A_233, %eq3A_234 : i32
      %select_n3A_236 = arith.constant 0 : i32
      %select_n3A_237 = arith.select %eq3A_235, %select_n3A_236, %select_n3A_233 : i32
      %select_n3A_238 = arith.constant 0 : i32
      %select_n3A_239 = arith.constant 1 : i32
      %select_n3A_240 = arith.select %eq3A_235, %select_n3A_239, %select_n3A_238 : i32
      %eq3A_241 = arith.constant 1 : i32
      %eq3A_242 = arith.cmpi eq, %select_n3A_240, %eq3A_241 : i32
      %select_n3A_243 = arith.constant 0 : i32
      %select_n3A_244 = arith.select %eq3A_242, %select_n3A_243, %select_n3A_240 : i32
      %add3A_245 = arith.constant 0 : i32
      %add3A_246 = arith.addi %add3A_245, %mul3A_6 : i32
      %add3A_247 = arith.constant 0 : i32
      %add3A_248 = arith.addi %select_n3A_237, %add3A_247 : i32
      %add3A_249 = arith.constant 0 : i32
      %add3A_250 = arith.addi %select_n3A_230, %add3A_249 : i32
      %add3A_251 = arith.constant 1 : i32
      %add3A_252 = arith.addi %select_n3A_230, %add3A_251 : i32
      %select_n3A_253 = arith.constant true
      %select_n3A_254 = arith.select %select_n3A_253, %add3A_252, %select_n3A_230 : i32
      %eq3A_255 = arith.constant 64 : i32
      %eq3A_256 = arith.cmpi eq, %select_n3A_254, %eq3A_255 : i32
      %select_n3A_257 = arith.constant 0 : i32
      %select_n3A_258 = arith.select %eq3A_256, %select_n3A_257, %select_n3A_254 : i32
      %add3A_259 = arith.constant 1 : i32
      %add3A_260 = arith.addi %select_n3A_237, %add3A_259 : i32
      %select_n3A_261 = arith.select %eq3A_256, %add3A_260, %select_n3A_237 : i32
      %eq3A_262 = arith.constant 2 : i32
      %eq3A_263 = arith.cmpi eq, %select_n3A_261, %eq3A_262 : i32
      %select_n3A_264 = arith.constant 0 : i32
      %select_n3A_265 = arith.select %eq3A_263, %select_n3A_264, %select_n3A_261 : i32
      %select_n3A_266 = arith.constant 0 : i32
      %select_n3A_267 = arith.constant 1 : i32
      %select_n3A_268 = arith.select %eq3A_263, %select_n3A_267, %select_n3A_266 : i32
      %eq3A_269 = arith.constant 1 : i32
      %eq3A_270 = arith.cmpi eq, %select_n3A_268, %eq3A_269 : i32
      %select_n3A_271 = arith.constant 0 : i32
      %select_n3A_272 = arith.select %eq3A_270, %select_n3A_271, %select_n3A_268 : i32
      %add3A_273 = arith.constant 0 : i32
      %add3A_274 = arith.addi %add3A_273, %mul3A_6 : i32
      %add3A_275 = arith.constant 0 : i32
      %add3A_276 = arith.addi %select_n3A_265, %add3A_275 : i32
      %add3A_277 = arith.constant 0 : i32
      %add3A_278 = arith.addi %select_n3A_258, %add3A_277 : i32
      "tpu.trace_start"() <{level = 10 : i32, message = "ep_finalize"}> : () -> ()
      %rem3A_279 = arith.constant 2 : i32
      %rem3A_280 = arith.remui %scan3A_166#5, %rem3A_279 : i32
      %mul3A_281 = arith.constant 2 : i32
      %mul3A_282 = arith.muli %add3A_190, %mul3A_281 : i32
      %add3A_283 = arith.addi %mul3A_282, %add3A_192 : i32
      %mul3A_284 = arith.constant 1 : i32
      %mul3A_285 = arith.muli %mul3A_284, %add3A_194 : i32
      %mul3A_286 = arith.constant 16 : i32
      %mul3A_287 = arith.muli %mul3A_286, %add3A_283 : i32
      %dma_wait3A = arith.constant 0 : i32
      %dma_wait3A_288 = arith.constant 0 : i32
      %dma_wait3A_289 = arith.constant 0 : i32
      %dma_wait3A_290 = tpu.memref_slice %run_scoped3A_10[%rem3A_280, %dma_wait3A, %dma_wait3A_288, %dma_wait3A_289] : memref<2x1x16x768xf32, #tpu.memory_space<vmem>> -> memref<1x1x16x768xf32, #tpu.memory_space<vmem>>
      %dma_wait3A_291 = tpu.memref_squeeze %dma_wait3A_290 : memref<1x1x16x768xf32, #tpu.memory_space<vmem>> -> memref<1x16x768xf32, #tpu.memory_space<vmem>>
      %dma_wait3A_292 = arith.constant 0 : i32
      %dma_wait3A_293 = tpu.memref_slice %arg4[%mul3A_285, %mul3A_287, %dma_wait3A_292] : memref<64x1024x768xf32, #tpu.memory_space<hbm>> -> memref<1x16x768xf32, #tpu.memory_space<hbm>>
      %dma_wait3A_294 = tpu.memref_slice %run_scoped3A_11[%rem3A_280] : memref<2x!tpu.dma_semaphore, #tpu.memory_space<semaphore_mem>> -> memref<1x!tpu.dma_semaphore, #tpu.memory_space<semaphore_mem>>
      %dma_wait3A_295 = tpu.memref_squeeze %dma_wait3A_294 : memref<1x!tpu.dma_semaphore, #tpu.memory_space<semaphore_mem>> -> memref<!tpu.dma_semaphore, #tpu.memory_space<semaphore_mem>>
      %dma_wait3A_296 = arith.constant 0 : i32
      %dma_wait3A_297 = tpu.memref_slice %arg4[%mul3A_285, %mul3A_287, %dma_wait3A_296] : memref<64x1024x768xf32, #tpu.memory_space<hbm>> -> memref<1x16x768xf32, #tpu.memory_space<hbm>>
      %dma_wait3A_298 = arith.constant 0 : i32
      %dma_wait3A_299 = arith.constant 0 : i32
      %dma_wait3A_300 = arith.constant 0 : i32
      %dma_wait3A_301 = tpu.memref_slice %run_scoped3A_10[%rem3A_280, %dma_wait3A_298, %dma_wait3A_299, %dma_wait3A_300] : memref<2x1x16x768xf32, #tpu.memory_space<vmem>> -> memref<1x1x16x768xf32, #tpu.memory_space<vmem>>
      %dma_wait3A_302 = tpu.memref_squeeze %dma_wait3A_301 : memref<1x1x16x768xf32, #tpu.memory_space<vmem>> -> memref<1x16x768xf32, #tpu.memory_space<vmem>>
      tpu.wait_dma2 semaphore(%dma_wait3A_295 : memref<!tpu.dma_semaphore, #tpu.memory_space<semaphore_mem>>) src(%dma_wait3A_302 : memref<1x16x768xf32, #tpu.memory_space<vmem>>) dst(%dma_wait3A_297 : memref<1x16x768xf32, #tpu.memory_space<hbm>>)
      "tpu.trace_stop"() : () -> ()
      tpu.yield
    }) : () -> ()
    return
  }
}

</mosaic_0001>

<sc_bundles>
// kernel: kernel.3.cloned.1.call-start
scs
__scs_entry_jumppad:
0x0: {  	(pc) =	sbr.rel $0x88, $3  }
0x1: {  	(tag) =	ssettag $0x0;
	lr =	simm.s32 $0x1  }
0x2: {  	[smem:$0x3F9F] =	sst lr;
	_ =	strace $0xD0000000  }
0x3: {  	_ = 	snop  }
0x4: {  	_ = 	snop  }
0x5: {  	_ = 	snop  }
0x6: {  	_ = 	snop  }
0x7: {  	_ = 	snop  }
__scs_overlays_trampoline_lowered:
0x8: {  	[smem:$0x3FAE] =	sst s0  }
0x9: {  	[smem:$0x3FAF] =	sst s1  }
0xa: {  	[smem:$0x3FB0] =	sst s2  }
0xb: {  	[smem:$0x3FB1] =	sst s3  }
0xc: {  	[smem:$0x3FB2] =	sst s4  }
0xd: {  	[smem:$0x3FB3] =	sst s5  }
0xe: {  	[smem:$0x3FB4] =	sst s6  }
0xf: {  	[smem:$0x3FB5] =	sst s7  }
0x10: {  	[smem:$0x3FB6] =	sst s8  }
0x11: {  	[smem:$0x3FB7] =	sst s9;
	s0 =	simm.s32 @!p0 $0x0  }
0x12: {  	s1 =	sld [smem:$0x3F9D];
	s0 =	simm.s32 @p0 $0x1  }
0x13: {  	[smem:$0x3FB8] =	sst s0;
	s0 =	simm.s32 @!p1 $0x0  }
0x14: {  	s2 =	sld [smem:$0x3F9C];
	s0 =	simm.s32 @p1 $0x1  }
0x15: {  	[smem:$0x3FB9] =	sst s0;
	s0 =	simm.s32 @!p2 $0x0  }
0x16: {  	s3 =	sld [smem:$0x3FDB];
	s0 =	simm.s32 @p2 $0x1  }
0x17: {  	s4 =	simm.s32 $0x1BF5;
	[smem:$0x3FBB] =	sst s0  }
0x18: {  	s0 =	sld [smem:$0x3F9E];
	_ =	swait.ge [sflag:s4], $0x0  }
0x19: {  	s7 =	sld [smem:$0x3F9F]  }
0x1a: {  	s8 =	sadd.s32 $0xFFFFE003, lr  }
0x1b: {  	s9 =	sadd.s32 $0xFFFFFEF7, lr;
	s5 =	simm.s32 $0xFFFFFFFF;
	p2 =	slt.u32 s8, $0xFFFFF086  }
0x1c: {  	p1 =	slt.u32 s9, $0xF7A;
	s5 =	simm.s32 @!p2 $0x0  }
0x1d: {  	s5 =	simm.s32 @p1 $0x1;
	p0 =	seq.s32 s7, s2  }
0x1e: {  	s7 =	smul.u32 @!p0 $0xF7A, s2;
	p2 =	seq.s32 @!p0 s5, $0x0  }
0x1f: {  	s9 =	smul.u32 $0xF7A, s1;
	s8 =	simm.s32 @!p0 $0x1BF5;
	p2 =	por !p2, p0  }
0x20: {  	[sflag:s8] =	ssyncset.s32 @!p0 $0xFFFFF086;
	s6 =	sadd.s32 @!p0 s3, s7;
	s7 =	simm.s32 @!p0 $0x108  }
0x21: {  	s3 =	sadd.s32 s3, s9;
	s6 =	sadd.s32 @!p0 $0x88, s6;
	s7 =	simm.s32 @p2 $0x1082  }
0x22: {  	[simem:s7], [sflag:s8] =	dma.local @!p0 [hbm:s6], $0xF7A  }
0x23: {  	s9 =	sor.u32 $0xD0000000, s2;
	s6 =	simm.s32 $0x108;
	_ =	swait.ge @!p0 [sflag:s8], $0x0  }
0x24: {  	s3 =	sadd.s32 $0x88, s3;
	s6 =	simm.s32 @!p1 $0x1082;
	[sflag:s4] =	ssyncset.s32 $0xFFFFF086  }
0x25: {  	[simem:s6], [sflag:s4] =	dma.local [hbm:s3], $0xF7A  }
0x26: {  	[smem:$0x3F9F] =	sst s1;
	(tag) =	ssettag s2;
	_ =	strace s9  }
0x27: {  	s1 =	sld [smem:$0x3FAF]  }
0x28: {  	s2 =	sld [smem:$0x3FB0]  }
0x29: {  	s4 =	sld [smem:$0x3FB2]  }
0x2a: {  	p0 =	seq.s32 s5, $0x0;
	s5 =	sld [smem:$0x3FB3]  }
0x2b: {  	s6 =	sld [smem:$0x3FB4]  }
0x2c: {  	s7 =	sld [smem:$0x3FB5]  }
0x2d: {  	s3 =	simm.s32 $0x108;
	s8 =	sld [smem:$0x3FB6]  }
0x2e: {  	s3 =	simm.s32 @!p0 $0x1082;
	s9 =	sld [smem:$0x3FB7]  }
0x2f: {  	lr =	sadd.s32 s0, s3;
	s0 =	sld [smem:$0x3FAE]  }
0x30: {  	s3 =	sld [smem:$0x3FB1]  }
0x31: {  	[smem:$0x3FBA] =	sst s10  }
0x32: {  	s10 =	sld [smem:$0x3FB8];
	_ =	sdelay $0x3  }
0x33: {  	p0 =	seq.s32 s10, $0x1;
	s10 =	sld [smem:$0x3FBA];
	_ =	sdelay $0x3  }
0x34: {  	[smem:$0x3FBA] =	sst s10  }
0x35: {  	s10 =	sld [smem:$0x3FB9];
	_ =	sdelay $0x3  }
0x36: {  	p1 =	seq.s32 s10, $0x1;
	s10 =	sld [smem:$0x3FBA];
	_ =	sdelay $0x3  }
0x37: {  	[smem:$0x3FBA] =	sst s10  }
0x38: {  	s10 =	sld [smem:$0x3FBB]  }
0x39: {  	_ = 	snop;
	(pc) =	sbr.ind lr, $3  }
0x3a: {  	_ = 	snop  }
0x3b: {  	_ = 	snop  }
0x3c: {  	p2 =	seq.s32 s10, $0x1;
	s10 =	sld [smem:$0x3FBA]  }
0x3d: {  	_ =	shalt  }
0x3e: {  	_ =	shalt  }
0x3f: {  	_ =	shalt  }
0x40: {  	_ =	shalt  }
0x41: {  	_ =	shalt  }
0x42: {  	_ =	shalt  }
0x43: {  	_ =	shalt  }
0x44: {  	_ =	shalt  }
0x45: {  	_ =	shalt  }
0x46: {  	_ =	shalt  }
0x47: {  	_ =	shalt  }
0x48: {  	_ =	shalt  }
0x49: {  	_ =	shalt  }
0x4a: {  	_ =	shalt  }
0x4b: {  	_ =	shalt  }
0x4c: {  	_ =	shalt  }
0x4d: {  	_ =	shalt  }
0x4e: {  	_ =	shalt  }
0x4f: {  	_ =	shalt  }
0x50: {  	_ =	shalt  }
0x51: {  	_ =	shalt  }
0x52: {  	_ =	shalt  }
0x53: {  	_ =	shalt  }
0x54: {  	_ =	shalt  }
0x55: {  	_ =	shalt  }
0x56: {  	_ =	shalt  }
0x57: {  	_ =	shalt  }
0x58: {  	_ =	shalt  }
0x59: {  	_ =	shalt  }
0x5a: {  	_ =	shalt  }
0x5b: {  	_ =	shalt  }
0x5c: {  	_ =	shalt  }
0x5d: {  	_ =	shalt  }
0x5e: {  	_ =	shalt  }
0x5f: {  	_ =	shalt  }
0x60: {  	_ =	shalt  }
0x61: {  	_ =	shalt  }
0x62: {  	_ =	shalt  }
0x63: {  	_ =	shalt  }
0x64: {  	_ =	shalt  }
0x65: {  	_ =	shalt  }
0x66: {  	_ =	shalt  }
0x67: {  	_ =	shalt  }
0x68: {  	_ =	shalt  }
0x69: {  	_ =	shalt  }
0x6a: {  	_ =	shalt  }
0x6b: {  	_ =	shalt  }
0x6c: {  	_ =	shalt  }
0x6d: {  	_ =	shalt  }
0x6e: {  	_ =	shalt  }
0x6f: {  	_ =	shalt  }
0x70: {  	_ =	shalt  }
0x71: {  	_ =	shalt  }
0x72: {  	_ =	shalt  }
0x73: {  	_ =	shalt  }
0x74: {  	_ =	shalt  }
0x75: {  	_ =	shalt  }
0x76: {  	_ =	shalt  }
0x77: {  	_ =	shalt  }
0x78: {  	_ =	shalt  }
0x79: {  	_ =	shalt  }
0x7a: {  	_ =	shalt  }
0x7b: {  	_ =	shalt  }
0x7c: {  	_ =	shalt  }
0x7d: {  	_ =	shalt  }
0x7e: {  	_ =	shalt  }
0x7f: {  	_ =	shalt  }
0x80: {  	_ =	shalt  }
0x81: {  	_ =	shalt  }
0x82: {  	_ =	shalt  }
0x83: {  	_ =	shalt  }
0x84: {  	_ =	shalt  }
0x85: {  	_ =	shalt  }
0x86: {  	_ =	shalt  }
0x87: {  	_ =	shalt  }
.Lfunc_end0:
.L_simem_size_0:
called_computation_lowered:
.L_overlay_start_0:
0x88: {  	s2 =	sld [smem:$0x3FD9]  }
0x89: {  	s3 =	sld [smem:$0x3FFE];
	_ =	sdelay $0x1  }
0x8a: {  	s1 =	srdreg.scid  }
0x8b: {  	s0 =	sand.u32 $0x1, s1  }
0x8c: {  	s18 =	sshll.u32 s0, $0xA;
	s2 =	sadd.s32 s3, s2  }
0x8d: {  	s2 =	sadd.s32 s2, s18  }
0x8e: {  	[smem:$0x3FC6] =	sst s2  }
0x8f: {  	_ = 	snop  }
0x90: {  	s2 =	sld [smem:$0x3FC9]  }
0x91: {  	s19 =	sld [smem:$0x3FC8]  }
0x92: {  	s4 =	sld [smem:$0x3FD0];
	(tm) =	ssettm $0x1  }
0x93: {  	s5 =	sld [smem:$0x3FFB];
	_ =	sdelay $0x3  }
0x94: {  	_ =	strace s5  }
0x95: {  	s5 =	sld [smem:$0x3FFC];
	_ =	sdelay $0x3  }
0x96: {  	_ =	strace s5  }
0x97: {  	s5 =	sld [smem:$0x3FFD];
	_ =	sdelay $0x3  }
0x98: {  	_ =	strace s5  }
0x99: {  	_ =	strace $0x8FFFFFFF  }
0x9a: {  	s20 =	sld [smem:$0x3FDB];
	_ =	sdelay $0x1  }
0x9b: {  	s6 =	simm.s32 $_scs_section_size  }
0x9c: {  	s7 =	simm.s32 $_size__tile_overlayer_lowered;
	s8 =	simm.s32 $_tile_overlayer_lowered  }
0x9d: {  	s23 =	simm.s32 $0x1BFF;
	s22 =	sshll.u32 s8, $0x1;
	s5 =	sadd.s32 s6, s20  }
0x9e: {  	s9 =	simm.s32 $0x0;
	s21 =	sshll.u32 s7, $0x1;
	s7 =	sadd.s32 s22, s5  }
0x9f: {  	[timem:s9], [sflag:s23] =	dma.local [hbm:s7], s21  }
0xa0: {  	_ =	swait.ge [sflag:s23], s21  }
0xa1: {  	s6 =	ssub.s32 $0x0, s21;
	[sflag:s23] =	ssyncset.done $0x0  }
0xa2: {  	[sflag:s23] =	ssyncadd.s32 s6;
	_ =	sdelay $0x1  }
0xa3: {  	s24 =	simm.s32 $0x1B8B  }
0xa4: {  	_ =	swait.ge [sflag:s24], $0x1  }
0xa5: {  	[sflag:s24] =	ssyncset.done $0x0  }
0xa6: {  	s25 =	simm.s32 $0x1B8E;
	[sflag:s24] =	ssyncadd.s32 $0xFFFFFFFF  }
0xa7: {  	s26 =	simm.s32 $execute0_lowered;
	[smem:$0x3FD2] =	sst s25  }
0xa8: {  	s6 =	sshll.u32 s26, $0x1;
	_ =	strace $0x80000046;
	[dreg:$0x1] =	wrdreg $0xFFFFFFFF  }
0xa9: {  	s28 =	simm.s32 $_size_execute0_lowered;
	s5 =	sadd.s32 s5, s6;
	[dreg:$0x0] =	wrdreg $0x0  }
0xaa: {  	s6 =	sshll.u32 s28, $0x1;
	[dreg:$0x2] =	wrdreg s5  }
0xab: {  	[dreg:$0x3] =	wrdreg s6  }
0xac: {  	[dreg:$0x4] =	wrdreg $0xC0  }
0xad: {  	_ =	task [dreg:s9], $0x5FFFF  }
0xae: {  	[dreg:$0x1] =	wrdreg $0xFFFFFFFF  }
0xaf: {  	[dreg:$0x0] =	wrdreg $0x60  }
0xb0: {  	[dreg:$0x2] =	wrdreg s2  }
0xb1: {  	[dreg:$0x3] =	wrdreg s19  }
0xb2: {  	[dreg:$0x4] =	wrdreg s4  }
0xb3: {  	[dreg:$0x5] =	wrdreg $0x9  }
0xb4: {  	_ =	task.clear_ibuf [dreg:s9], $0x6FFFF;
	_ =	strace $0x90000046  }
0xb5: {  	s29 =	simm.s32 $0x9;
	_ =	strace $0x80000051  }
0xb6: {  	_ =	swait.ge [sflag:s29], $0x1  }
0xb7: {  	[sflag:s29] =	ssyncadd.s32 $0xFFFFFFFF  }
0xb8: {  	_ =	strace $0x90000051  }
0xb9: {  	_ =	sfence  }
0xba: {  	s30 =	sld [smem:$0x0];
	_ =	sdelay $0x2  }
0xbb: {  	s31 =	sshll.u32 s1, $0xD;
	s1 =	sshrl.u32 s1, $0x2  }
0xbc: {  	s3 =	sand.u32 $0x4000, s31;
	s1 =	sadd.s32 s1, s30  }
0xbd: {  	s0 =	sor.u32 s3, s0;
	s1 =	sshll.u32 s1, $0x11  }
0xbe: {  	s0 =	sor.u32 s1, s0  }
0xbf: {  	s0 =	sadd.s32 $0x8F2B, s0  }
0xc0: {  	[sflag:s0] =	ssyncadd.remote.s32 $0x1  }
0xc1: {  	_ =	sfence.sel $0xFFFF  }
0xc2: {  	[dreg:$0x0] =	wrdreg $0xFFFFFFFF;
	(pc) =	sbr.abs _section_cstart, $3  }
0xc3: {  	[dreg:$0x1] =	wrdreg $0xFFFFFFFF  }
0xc4: {  	_ =	task.clear_ibuf [dreg:s9], $0x2FFFF;
	_ =	strace $0x9FFFFFFF  }
0xc5: {  	(tm) =	ssettm $0x7FFFFFFF  }
tec
execute0_lowered:
.L_overlay_start_1:
0x0: {  	(tag) =	ssettag $0x1  }
0x1: {  	s1 =	rddreg [dreg:$0x0]  }
0x2: {  	s2 =	rddreg [dreg:$0x1];
	s0 =	srdreg.scid  }
0x3: {  	s4 =	rddreg [dreg:$0x2];
	s6 =	stileid.u32;
	s0 =	sand.u32 $0x1, s0  }
0x4: {  	s5 =	simm.s32 $0x0;
	s10 =	simm.s32 $0x6000;
	s3 =	sshll.u32 s0, $0x4  }
0x5: {  	s11 =	simm.s32 $0x0;
	s0 =	ssub.s32 $0x2, s0;
	s3 =	sor.u32 s6, s3  }
0x6: {  	[smem:$0x7FF] =	sst s5;
	s31 =	sshrl.u32 s0, $0x1;
	s7 =	smul.u32 $0xC00, s3  }
0x7: {  	_ =	strace $0x80000047;
	s0 =	ssub.s32 s0, s31;
	s8 =	sshll.u32 s3, $0x1  }
0x8: {  	s9 =	smax.u32 s0, $0x1;
	s6 =	sadd.s32 s1, s7;
	s7 =	sadd.s32 s2, s7  }
.LBB2_1:
0x9: {  	_ =	strace $0x80000048;
	s21 =	simm.s32 $0x0  }
0xa: {  	s22 =	simm.s32 $0x0;
	s12 =	simm.s32 $0x0;
	s13 =	simm.s32 $0x0  }
0xb: {  	[tilespmem:s5], [sflag:$0x1] =	stream.linear.gather [hbm4b:s6+s5], $0x3000, $0x200038;
	[tilespmem:$0x12000] =	vst v63  }
0xc: {  	s14 =	simm.s32 $0x0;
	s15 =	simm.s32 $0x1;
	s16 =	simm.s32 $0x0  }
0xd: {  	[tilespmem:s10], [sflag:$0x3] =	stream.linear.gather [hbm4b:s7+s5], $0x3000, $0x200038;
	[tilespmem:$0x12000] =	vst v63  }
0xe: {  	s17 =	simm.s32 $0x1;
	s18 =	simm.s32 $0x0;
	_ =	strace $0x90000048  }
.LBB2_2:
0xf: {  	s19 =	sadd.s32 $0x1, s21  }
0x10: {  	s0 =	simm.s32 $0x1;
	p0 =	seq.s32 s19, $0x40  }
0x11: {  	s0 =	simm.s32 @!p0 $0x0  }
0x12: {  	s20 =	sadd.s32 s0, s22  }
0x13: {  	p1 =	seq.s32 s20, $0x2  }
0x14: {  	s19 =	simm.s32 @p0 $0x0;
	s20 =	simm.s32 @p1 $0x0  }
0x15: {  	p6 =	sne.s32 s21, s19;
	p0 =	sne.s32 s22, s20  }
0x16: {  	p2 =	sne.s32 s18, $0x7F;
	p1 =	por p6, p0  }
0x17: {  	p3 =	por !p2, !p1  }
0x18: {  	p3 =	por !p3, !p3  }
0x19: {  	s0 =	sadd.s32 s8, s20;
	s3 =	smul.u32 @p3 $0xC0000, s19  }
0x1a: {  	s23 =	smul.u32 @p3 $0x3000, s0  }
0x1b: {  	p2 =	por !p2, !p0;
	s24 =	sand.u32 @p3 $0x1, s17  }
0x1c: {  	p4 =	por !p2, !p2;
	s25 =	smul.u32 @p3 $0xC000, s24;
	s3 =	sadd.s32 @p3 s3, s23  }
0x1d: {  	_ =	strace @p3 $0x80000049;
	s24 =	sadd.s32 @p3 $0x1, s24;
	s3 =	sshrl.u32 @p3 s3, $0x3  }
0x1e: {  	s23 =	sshrl.u32 @p3 s25, $0x2;
	s25 =	simm.s32 @p3 $0x0;
	s3 =	sadd.s32 @p3 s1, s3  }
0x1f: {  	[tilespmem:s23], [sflag:s24] =	stream.linear.gather @p3 [hbm4b:s3+s25], $0x3000, $0x200038;
	[tilespmem:$0x12000] =	vst v63  }
0x20: {  	s0 =	smul.u32 @p4 $0x600, s0;
	s3 =	sand.u32 @p4 $0x1, s15  }
0x21: {  	s23 =	smul.u32 @p4 $0xC000, s3  }
0x22: {  	s28 =	sand.u32 $0x1, s16;
	s0 =	sadd.s32 @p4 s2, s0  }
0x23: {  	s24 =	simm.s32 @p4 $0x0;
	_ =	strace @p3 $0x90000049;
	s23 =	sshrl.u32 @p4 s23, $0x2  }
0x24: {  	s3 =	sadd.s32 @p4 $0x3, s3;
	_ =	strace @p4 $0x8000004A;
	s23 =	sadd.s32 @p4 $0x6000, s23  }
0x25: {  	[tilespmem:s23], [sflag:s3] =	stream.linear.gather @p4 [hbm4b:s0+s24], $0x3000, $0x200038;
	[tilespmem:$0x12000] =	vst v63  }
0x26: {  	p2 =	seq.s32 s21, $0x0;
	s25 =	simm.s32 $0x1;
	_ =	strace @p4 $0x9000004A  }
0x27: {  	s30 =	sadd.s32 $0x1, s28;
	s25 =	simm.s32 @!p2 $0x0;
	_ =	strace $0x8000004B  }
0x28: {  	s29 =	ssub.s32 s22, s25;
	_ =	swait.ge [sflag:s30], $0x3000  }
0x29: {  	p6 =	sne.s32 s22, $0x1;
	p5 =	seq.s32 s29, $0xFFFFFFFF;
	[sflag:s30] =	ssyncset.done $0x0  }
0x2a: {  	p6 =	por @!p5 p2, p2;
	p2 =	seq.s32 s18, $0x0;
	[sflag:s30] =	ssyncadd.s32 $0xFFFFD000  }
0x2b: {  	s25 =	sand.u32 $0x1, s14;
	p5 =	por p2, p6;
	_ =	strace $0x9000004B  }
0x2c: {  	s0 =	sadd.s32 @p5 $0x3, s25;
	_ =	strace @p5 $0x8000004C  }
0x2d: {  	_ =	swait.ge @p5 [sflag:s0], $0x3000  }
0x2e: {  	s23 =	sadd.s32 s8, s22;
	s22 =	sand.u32 $0x1, s13;
	[sflag:s0] =	ssyncset.done @p5 $0x0  }
0x2f: {  	s31 =	smul.u32 $0xC000, s22;
	[sflag:s0] =	ssyncadd.s32 @p5 $0xFFFFD000;
	s0 =	simm.s32 $0x1  }
0x30: {  	s26 =	simm.s32 $0x9000;
	s3 =	simm.s32 $0x1;
	s0 =	simm.s32 @!p3 $0x0  }
0x31: {  	s3 =	simm.s32 @!p4 $0x0;
	s17 =	sadd.s32 s0, s17;
	s0 =	sshrl.u32 s31, $0x2  }
0x32: {  	p4 =	seq.s32 s25, $0x1;
	s15 =	sadd.s32 s3, s15;
	s24 =	sor.u32 $0xC000, s0  }
0x33: {  	s3 =	simm.s32 $0x3000;
	s26 =	simm.s32 @!p4 $0x6000;
	p3 =	seq.s32 s28, $0x1;
	v2 =	vmov s24  }
0x34: {  	v1 =	vmov s26;
	s3 =	simm.s32 @!p3 $0x0  }
0x35: {  	v0 =	vmov s3  }
0x36: {  	_ =	strace @p5 $0x9000004C  }
0x37: {  	s25 =	simm.s32 $0x0;
	s26 =	simm.s32 $0x0;
	_ =	strace $0x8000004D  }
.LBB2_3:
0x38: {  	s0 =	sshrl.u32 s26, $0x3  }
0x39: {  	s3 =	sshll.u32 s26, $0x7;
	s0 =	smul.u32 $0x1800, s0  }
0x3a: {  	s3 =	sand.u32 $0x380, s3  }
0x3b: {  	s28 =	sor.u32 s3, s0;
	s0 =	sand.u32 $0x1C00, s25  }
0x3c: {  	s3 =	sand.u32 $0x70, s25;
	s0 =	sadd.s32 s28, s0  }
0x3d: {  	s29 =	sor.u32 s3, s0  }
0x3e: {  	v3 =	vld.idx.msk [tilespmem:v1+s29+$0x0 ss:$0x1], $0xffff  }
0x3f: {  	v4 =	vld.idx.msk [tilespmem:v0+s29+$0x0 ss:$0x1], $0xffff;
	_ =	sdelay $0x3  }
0x40: {  	s30 =	simm.s32 $0x80  }
0x41: {  	s0 =	simm.s32 $0x10;
	s3 =	sand.u32 $0x1C00, s30;
	v3 =	vadd.f32 v3, v4  }
0x42: {  	s31 =	simm.s32 $0x20;
	s0 =	sand.u32 $0x70, s0;
	s3 =	sadd.s32 s28, s3  }
.LBB2_4:
0x43: {  	p3 =	sne.s32 s31, $0x2F0;
	[tilespmem:v2+s29+$0x0 ss:$0x1] =	vst.idx.msk $0xffff, v3;
	s29 =	sor.u32 s0, s3  }
0x44: {  	v3 =	vld.idx.msk [tilespmem:v1+s29+$0x0 ss:$0x1], $0xffff  }
0x45: {  	v4 =	vld.idx.msk [tilespmem:v0+s29+$0x0 ss:$0x1], $0xffff;
	_ =	sdelay $0x2  }
.Ltmp0:
0x46: {  	(pc) =	sbr.rel @p3 .LBB2_4-.Ltmp0, $4  }
0x47: {  	_ = 	snop  }
0x48: {  	s30 =	sadd.s32 $0x80, s30  }
0x49: {  	s3 =	sand.u32 $0x1C00, s30;
	v3 =	vadd.f32 v3, v4  }
0x4a: {  	s0 =	sand.u32 $0x70, s31;
	s31 =	sadd.s32 $0x10, s31;
	s3 =	sadd.s32 s28, s3  }
0x4b: {  	_ =	sdelay $0x3  }
0x4c: {  	s0 =	sor.u32 s0, s3;
	[tilespmem:v2+s29+$0x0 ss:$0x1] =	vst.idx.msk $0xffff, v3  }
0x4d: {  	v3 =	vld.idx.msk [tilespmem:v1+s0+$0x0 ss:$0x1], $0xffff  }
0x4e: {  	v4 =	vld.idx.msk [tilespmem:v0+s0+$0x0 ss:$0x1], $0xffff  }
0x4f: {  	s26 =	sadd.s32 $0x1, s26  }
0x50: {  	p3 =	sne.s32 s26, $0x10  }
.Ltmp1:
0x51: {  	_ = 	snop;
	(pc) =	sbr.rel @p3 .LBB2_3-.Ltmp1, $3  }
0x52: {  	_ = 	snop  }
0x53: {  	v3 =	vadd.f32 v3, v4;
	_ =	sdelay $0x1  }
0x54: {  	[tilespmem:v2+s0+$0x0 ss:$0x1] =	vst.idx.msk $0xffff, v3  }
0x55: {  	p3 =	seq.s32 s18, $0x7F  }
0x56: {  	p1 =	por p3, p1  }
0x57: {  	s0 =	smul.u32 @p1 $0xC0000, s21  }
0x58: {  	s3 =	smul.u32 @p1 $0x3000, s23;
	_ =	sdelay $0x1  }
0x59: {  	_ =	strace $0x9000004D;
	s0 =	sadd.s32 @p1 s0, s3  }
0x5a: {  	_ =	strace @p1 $0x8000004E;
	s0 =	sshrl.u32 @p1 s0, $0x3  }
0x5b: {  	s21 =	simm.s32 @p1 $0x0;
	s3 =	sadd.s32 @p1 $0x5, s22;
	s0 =	sadd.s32 @p1 s4, s0  }
0x5c: {  	[hbm4b:s0+s21] =	stream.linear.scatter @p1 [tilespmem:s24], [sflag:s3], $0x3000, $0x200038;
	[tilespmem:$0x12000] =	vst v63  }
0x5d: {  	p0 =	por p3, p0;
	s0 =	sand.u32 @!p2 $0x1, s12;
	s3 =	simm.s32 $0x1  }
0x5e: {  	s21 =	simm.s32 $0x1;
	_ =	strace @p1 $0x9000004E;
	s0 =	sadd.s32 @!p2 $0x5, s0  }
0x5f: {  	s3 =	simm.s32 @!p1 $0x0;
	p1 =	sne.s32 s18, $0x0;
	s18 =	sadd.s32 $0x1, s18  }
0x60: {  	s21 =	simm.s32 @!p0 $0x0;
	_ =	strace @!p2 $0x8000004F;
	p0 =	sne.s32 s18, $0x80  }
.Ltmp2:
0x61: {  	_ =	swait.ge @!p2 [sflag:s0], $0x3000;
	(pc) =	sbr.rel @p0 .LBB2_2-.Ltmp2, $4  }
0x62: {  	s22 =	smov.u32 s20;
	[sflag:s0] =	ssyncset.done @!p2 $0x0  }
0x63: {  	s13 =	sadd.s32 s3, s13;
	[sflag:s0] =	ssyncadd.s32 @!p2 $0xFFFFD000;
	s0 =	simm.s32 $0x1  }
0x64: {  	s16 =	sadd.s32 s3, s16;
	s14 =	sadd.s32 s21, s14;
	s0 =	simm.s32 @!p1 $0x0  }
0x65: {  	s21 =	smov.u32 s19;
	_ =	strace @!p2 $0x9000004F;
	s12 =	sadd.s32 s0, s12  }
0x66: {  	s11 =	sadd.s32 $0x1, s11  }
0x67: {  	s0 =	sand.u32 $0x1, s12;
	p0 =	sne.s32 s11, s9  }
.Ltmp3:
0x68: {  	_ =	strace $0x80000050;
	s0 =	sadd.s32 $0x5, s0;
	(pc) =	sbr.rel @p0 .LBB2_1-.Ltmp3, $4  }
0x69: {  	_ =	swait.ge [sflag:s0], $0x3000  }
0x6a: {  	[sflag:s0] =	ssyncset.done $0x0  }
0x6b: {  	[sflag:s0] =	ssyncadd.s32 $0xFFFFD000  }
0x6c: {  	_ =	strace $0x90000050  }
0x6d: {  	_ =	sfence.sel $0x180000  }
0x6e: {  	[bflag:$0x0] =	sbarrier.arrive $0xFFFF  }
0x6f: {  	_ =	strace $0x90000047  }
0x70: {  	s0 =	stileid.u32;
	[bflag:$0x2] =	sbarrier.arrive $0xFFFF  }
0x71: {  	p0 =	sne.s32 s0, $0x0;
	s0 =	rddreg [dreg:$0x3]  }
0x72: {  	s0 =	sadd.s32 @!p0 $0x100000, s0  }
0x73: {  	[sflag:s0] =	ssyncadd.tile.s32 @!p0 $0x1;
	_ =	shalt  }
.Lfunc_end2:
_tile_overlayer_lowered:
.L_overlay_start_2:
0x74: {  	(tag) =	ssettag $0x2  }
0x75: {  	s0 =	rddreg [dreg:$0x0];
	s2 =	stileid.u32  }
0x76: {  	s1 =	rddreg [dreg:$0x1];
	p0 =	sne.s32 s2, $0x0  }
0x77: {  	s3 =	rddreg [dreg:$0x2];
	[bflag:$0x3] =	sbarrier.arrive $0xFFFF;
	s2 =	simm.s32 @!p0 $0x1C01  }
0x78: {  	[timem:s3], [sflag:s2] =	dma.local @!p0 [hbm:s0], s1  }
0x79: {  	s0 =	simm.s32 @!p0 $0x1  }
0x7a: {  	_ =	swait.ge @!p0 [sflag:s0], s1  }
0x7b: {  	s1 =	ssub.s32 @!p0 $0x0, s1;
	[sflag:s0] =	ssyncset.done @!p0 $0x0  }
0x7c: {  	[sflag:s0] =	ssyncadd.s32 @!p0 s1  }
0x7d: {  	[bflag:$0x3] =	sbarrier.arrive $0xFFFF  }
0x7e: {  	_ =	shalt  }

</sc_bundles>
